<compile_context>
chip_gen: v7x
topology: tpu7x:2x2x1
jax: 0.10.2.dev20260603
libtpu: 0.0.44.dev20260713+nightly
codegen_flags: <defaults>
</compile_context>

<pallas_src>
import functools

import jax
import jax.numpy as jnp
from jax import lax
from jax.experimental import pallas as pl
from jax.experimental.pallas import tpu as pltpu
from jax.experimental.pallas import tpu_sc as plsc

NC = 2
NS = 16
NW = NC * NS
K_CH = 128



def _make_agg(n_rows, d, n_chunks):
  mesh = plsc.VectorSubcoreMesh(core_axis_name="c", subcore_axis_name="s")
  rows_per_tile = n_rows // NS

  @functools.partial(
      pl.kernel,
      mesh=mesh,
      out_type=jax.ShapeDtypeStruct((NC, n_rows, d), jnp.float32),
      scratch_types=[
          pltpu.VMEM((n_chunks, K_CH), jnp.int32),
          pltpu.VMEM((n_chunks, K_CH), jnp.int32),
          pltpu.VMEM((K_CH, d), jnp.float32),
          pltpu.VMEM_SHARED((n_rows, d), jnp.float32),
          pltpu.SemaphoreType.DMA,
      ],
  )
  def agg(table_hbm, src_hbm, dst_hbm, zeros_hbm, out_hbm,
          src_v, dst_v, buf, acc, sem):
    cid = lax.axis_index("c")
    sid = lax.axis_index("s")
    wid = sid * NC + cid
    pltpu.sync_copy(src_hbm.at[wid], src_v)
    pltpu.sync_copy(dst_hbm.at[wid], dst_v)

    @pl.when(sid == 0)
    def _zero():
      pltpu.sync_copy(zeros_hbm, acc)

    plsc.subcore_barrier()

    def body(ci, carry):
      pltpu.async_copy(table_hbm.at[src_v.at[ci]], buf, sem).wait()
      pltpu.sync_copy(buf, acc.at[dst_v.at[ci]], add=True)
      return carry

    lax.fori_loop(0, n_chunks, body, 0)
    plsc.subcore_barrier()

    r0 = sid * rows_per_tile
    pltpu.sync_copy(acc.at[pl.ds(r0, rows_per_tile)],
                    out_hbm.at[cid, pl.ds(r0, rows_per_tile)])

  return agg


def _make_deg(n_rows, d, n_chunks):
  mesh = plsc.VectorSubcoreMesh(core_axis_name="c", subcore_axis_name="s")
  rows_per_tile = n_rows // NS

  @functools.partial(
      pl.kernel,
      mesh=mesh,
      out_type=jax.ShapeDtypeStruct((NC, n_rows, d), jnp.float32),
      scratch_types=[
          pltpu.VMEM((n_chunks, K_CH), jnp.int32),
          pltpu.VMEM((K_CH, d), jnp.float32),
          pltpu.VMEM_SHARED((n_rows, d), jnp.float32),
      ],
  )
  def deg(dst_hbm, zeros_hbm, out_hbm, dst_v, buf, acc):
    cid = lax.axis_index("c")
    sid = lax.axis_index("s")
    wid = sid * NC + cid
    pltpu.sync_copy(dst_hbm.at[wid], dst_v)

    ones = jnp.ones((16,), jnp.float32)

    def fbody(i, carry):
      buf[i // (d // 16), pl.ds((i % (d // 16)) * 16, 16)] = ones
      return carry

    lax.fori_loop(0, K_CH * d // 16, fbody, 0)

    @pl.when(sid == 0)
    def _zero():
      pltpu.sync_copy(zeros_hbm, acc)

    plsc.subcore_barrier()

    def body(ci, carry):
      pltpu.sync_copy(buf, acc.at[dst_v.at[ci]], add=True)
      return carry

    lax.fori_loop(0, n_chunks, body, 0)
    plsc.subcore_barrier()

    r0 = sid * rows_per_tile
    pltpu.sync_copy(acc.at[pl.ds(r0, rows_per_tile)],
                    out_hbm.at[cid, pl.ds(r0, rows_per_tile)])

  return deg



def _dinv_of(degp_ref):
  deg = degp_ref[0, :, 0] + degp_ref[1, :, 0] + 1.0
  return lax.rsqrt(deg)


def _scale_in_body(x_ref, degp_ref, w_ref, o_ref):
  dinv = _dinv_of(degp_ref)
  h = jnp.dot(x_ref[...], w_ref[...], preferred_element_type=jnp.float32)
  o_ref[...] = h * dinv[:, None]


def _combine_mm_body(aggp_ref, hs_ref, degp_ref, b_ref, w_ref, o_ref):
  dinv = _dinv_of(degp_ref)
  t = (aggp_ref[0] + aggp_ref[1] + hs_ref[...]) * dinv[:, None] + b_ref[...]
  h = jnp.maximum(t, 0.0)
  o_ref[...] = jnp.dot(h, w_ref[...],
                       preferred_element_type=jnp.float32) * dinv[:, None]


def _combine_head_body(aggp_ref, hs_ref, degp_ref, b_ref, wo_ref, bo_ref,
                       o_ref):
  dinv = _dinv_of(degp_ref)
  t = (aggp_ref[0] + aggp_ref[1] + hs_ref[...]) * dinv[:, None] + b_ref[...]
  h = jnp.maximum(t, 0.0)
  o_ref[...] = jnp.dot(h, wo_ref[...],
                       preferred_element_type=jnp.float32) + bo_ref[...]


def _softmax_body(n_valid, l_ref, o_ref):
  l = l_ref[...]
  ridx = lax.broadcasted_iota(jnp.int32, l.shape, 0)
  valid = ridx < n_valid
  lm = jnp.where(valid, l, -1e30)
  m = jnp.max(lm)
  e = jnp.where(valid, jnp.exp(lm - m), 0.0)
  o_ref[...] = e / jnp.sum(e)



def kernel(x, edge_index, W1, b1, W2, b2, Wo, bo):
  n, d = x.shape
  h_dim = W1.shape[1]
  e = edge_index.shape[1]

  bm = 1024
  npad = ((n + bm - 1) // bm) * bm
  epad = ((e + NW * K_CH - 1) // (NW * K_CH)) * (NW * K_CH)
  n_chunks = epad // (NW * K_CH)

  pad = jnp.full((epad - e,), n, dtype=edge_index.dtype)
  src_flat = jnp.concatenate([edge_index[0], pad])
  dst_flat = jnp.concatenate([edge_index[1], pad])
  src = src_flat.reshape(NW, n_chunks, K_CH)
  dst = dst_flat.reshape(NW, n_chunks, K_CH)

  x_p = jnp.pad(x, ((0, npad - n), (0, 0)))
  zd = jnp.zeros((npad, h_dim), jnp.float32)
  z16 = jnp.zeros((npad, 16), jnp.float32)

  aggd = _make_agg(npad, h_dim, n_chunks)
  degk = _make_deg(npad, 16, n_chunks)

  degp = degk(dst, z16)

  grid = npad // bm
  full_w = pl.BlockSpec((d, h_dim), lambda i: (0, 0))
  blk_rows = pl.BlockSpec((bm, h_dim), lambda i: (i, 0))
  blk_deg = pl.BlockSpec((NC, bm, 16), lambda i: (0, i, 0))
  blk_agg = pl.BlockSpec((NC, bm, h_dim), lambda i: (0, i, 0))
  blk_b = pl.BlockSpec((1, h_dim), lambda i: (0, 0))

  hs1 = pl.pallas_call(
      _scale_in_body,
      grid=(grid,),
      in_specs=[pl.BlockSpec((bm, d), lambda i: (i, 0)), blk_deg, full_w],
      out_specs=blk_rows,
      out_shape=jax.ShapeDtypeStruct((npad, h_dim), jnp.float32),
  )(x_p, degp, W1)

  aggp1 = aggd(hs1, src, dst, zd)

  hs2 = pl.pallas_call(
      _combine_mm_body,
      grid=(grid,),
      in_specs=[blk_agg, blk_rows, blk_deg, blk_b,
                pl.BlockSpec((h_dim, h_dim), lambda i: (0, 0))],
      out_specs=blk_rows,
      out_shape=jax.ShapeDtypeStruct((npad, h_dim), jnp.float32),
  )(aggp1, hs1, degp, b1.reshape(1, h_dim), W2)

  aggp2 = aggd(hs2, src, dst, zd)

  logits = pl.pallas_call(
      _combine_head_body,
      grid=(grid,),
      in_specs=[blk_agg, blk_rows, blk_deg, blk_b,
                pl.BlockSpec((h_dim, 1), lambda i: (0, 0)),
                pl.BlockSpec((1, 1), lambda i: (0, 0))],
      out_specs=pl.BlockSpec((bm, 1), lambda i: (i, 0)),
      out_shape=jax.ShapeDtypeStruct((npad, 1), jnp.float32),
  )(aggp2, hs2, degp, b2.reshape(1, h_dim), Wo, bo.reshape(1, 1))

  probs = pl.pallas_call(
      functools.partial(_softmax_body, n),
      in_specs=[pl.BlockSpec((npad, 1), lambda: (0, 0))],
      out_specs=pl.BlockSpec((npad, 1), lambda: (0, 0)),
      out_shape=jax.ShapeDtypeStruct((npad, 1), jnp.float32),
  )(logits)

  return probs[:n, 0]

# --- scband reference (transcript-rebuilt; emitter-appended) ---
"""Pipeline reference for scband-graph-policy-network-32650341384872 (READ-ONLY COPY).

The authoritative reference and input builder live on the scoring server;
editing this copy changes nothing except your own understanding.
"""

import jax, jax.numpy as jnp
import numpy as np

N = 10000
E = 320000
D = 128
H = 128


def setup_inputs(seed: int = 0) -> dict:
    key = jax.random.key(seed)
    ks = jax.random.split(key, 8)
    x = jax.random.normal(ks[0], (N, D), dtype=jnp.float32)
    edge_index = jax.random.randint(ks[1], (2, E), 0, N, dtype=jnp.int32)
    W1 = jax.random.normal(ks[2], (D, H), dtype=jnp.float32) / np.sqrt(D)
    b1 = jnp.zeros((H,), dtype=jnp.float32)
    W2 = jax.random.normal(ks[3], (H, H), dtype=jnp.float32) / np.sqrt(H)
    b2 = jnp.zeros((H,), dtype=jnp.float32)
    Wo = jax.random.normal(ks[4], (H, 1), dtype=jnp.float32) / np.sqrt(H)
    bo = jnp.zeros((1,), dtype=jnp.float32)
    return {"x": x, "edge_index": edge_index, "W1": W1, "b1": b1, "W2": W2, "b2": b2, "Wo": Wo, "bo": bo}


def _gcn_conv(x, edge_index, W, b):
    # Faithful GCNConv: linear transform, add self-loops, symmetric deg^-1/2 normalization,
    # scatter-add aggregation over destination nodes, plus bias.
    n = x.shape[0]
    loops = jnp.arange(n, dtype=edge_index.dtype)
    src = jnp.concatenate([edge_index[0], loops])
    dst = jnp.concatenate([edge_index[1], loops])
    deg = jax.ops.segment_sum(jnp.ones_like(dst, dtype=x.dtype), dst, num_segments=n)
    dinv = jnp.where(deg > 0, jax.lax.rsqrt(jnp.maximum(deg, 1e-12)), 0.0)
    norm = dinv[src] * dinv[dst]
    h = x @ W
    msgs = h[src] * norm[:, None]
    out = jax.ops.segment_sum(msgs, dst, num_segments=n)
    return out + b


def reference(x, edge_index, W1, b1, W2, b2, Wo, bo):
    h = _gcn_conv(x, edge_index, W1, b1)
    h = jax.nn.relu(h)
    h = _gcn_conv(h, edge_index, W2, b2)
    h = jax.nn.relu(h)
    logits = (h @ Wo + bo).squeeze(-1)
    probs = jax.nn.softmax(logits, axis=0)
    return probs

if __name__ == "__main__":
    import jax
    _d = setup_inputs()
    print(jax.jit(kernel)(*tuple(_d.values())))

</pallas_src>

<mosaic_0001>
#map = affine_map<(d0, d1) -> (0, 0)>
#map1 = affine_map<(d0, d1) -> (0, 0, 0)>
module attributes {stable_mosaic.version = 14 : i64} {
  func.func @agg(%arg0: i32, %arg1: i32, %arg2: memref<10240x128xf32, #tpu.memory_space<hbm>>, %arg3: memref<32x79x128xi32, #tpu.memory_space<hbm>>, %arg4: memref<32x79x128xi32, #tpu.memory_space<hbm>>, %arg5: memref<10240x128xf32, #tpu.memory_space<hbm>>, %arg6: memref<2x10240x128xf32, #tpu.memory_space<hbm>>, %arg7: memref<79x128xi32, #tpu.memory_space<vmem>>, %arg8: memref<79x128xi32, #tpu.memory_space<vmem>>, %arg9: memref<128x128xf32, #tpu.memory_space<vmem>>, %arg10: memref<10240x128xf32, #tpu.memory_space<vmem_shared>>, %arg11: memref<!tpu.dma_semaphore, #tpu.memory_space<semaphore_mem>>) attributes {dimension_semantics = [#tpu.dimension_semantics<core_parallel>, #tpu.dimension_semantics<subcore_parallel>], iteration_bounds = array<i64: 2, 16>, scalar_prefetch = 0 : i64, scratch_operands = 5 : i64, tpu.core_type = #tpu.core_type<sc_vector_subcore>, window_params = [{transform_indices = #map}, {transform_indices = #map1}, {transform_indices = #map1}, {transform_indices = #map}, {transform_indices = #map1}]} {
    %mul3A = arith.constant 2 : i32
    %mul3A_0 = arith.muli %arg1, %mul3A : i32
    %add3A = arith.addi %mul3A_0, %arg0 : i32
    "tpu.region"() ({
      %run_scoped3A = tpu.sem_alloc : memref<!tpu.dma_semaphore, #tpu.memory_space<semaphore_mem>>
      %dma_start3A = arith.constant 0 : i32
      %dma_start3A_11 = arith.constant 0 : i32
      %dma_start3A_12 = tpu.memref_slice %arg3[%add3A, %dma_start3A, %dma_start3A_11] : memref<32x79x128xi32, #tpu.memory_space<hbm>> -> memref<1x79x128xi32, #tpu.memory_space<hbm>>
      %dma_start3A_13 = tpu.memref_squeeze %dma_start3A_12 : memref<1x79x128xi32, #tpu.memory_space<hbm>> -> memref<79x128xi32, #tpu.memory_space<hbm>>
      %dma_start3A_14 = arith.constant 0 : i32
      %dma_start3A_15 = arith.constant 0 : i32
      %dma_start3A_16 = tpu.memref_slice %arg3[%add3A, %dma_start3A_14, %dma_start3A_15] : memref<32x79x128xi32, #tpu.memory_space<hbm>> -> memref<1x79x128xi32, #tpu.memory_space<hbm>>
      %dma_start3A_17 = tpu.memref_squeeze %dma_start3A_16 : memref<1x79x128xi32, #tpu.memory_space<hbm>> -> memref<79x128xi32, #tpu.memory_space<hbm>>
      tpu.enqueue_dma source(%dma_start3A_17 : memref<79x128xi32, #tpu.memory_space<hbm>>) target(%arg7 : memref<79x128xi32, #tpu.memory_space<vmem>>) target_semaphore(%run_scoped3A : memref<!tpu.dma_semaphore, #tpu.memory_space<semaphore_mem>>)
      %dma_wait3A = arith.constant 0 : i32
      %dma_wait3A_18 = arith.constant 0 : i32
      %dma_wait3A_19 = tpu.memref_slice %arg3[%add3A, %dma_wait3A, %dma_wait3A_18] : memref<32x79x128xi32, #tpu.memory_space<hbm>> -> memref<1x79x128xi32, #tpu.memory_space<hbm>>
      %dma_wait3A_20 = tpu.memref_squeeze %dma_wait3A_19 : memref<1x79x128xi32, #tpu.memory_space<hbm>> -> memref<79x128xi32, #tpu.memory_space<hbm>>
      %dma_wait3A_21 = arith.constant 0 : i32
      %dma_wait3A_22 = arith.constant 0 : i32
      %dma_wait3A_23 = tpu.memref_slice %arg3[%add3A, %dma_wait3A_21, %dma_wait3A_22] : memref<32x79x128xi32, #tpu.memory_space<hbm>> -> memref<1x79x128xi32, #tpu.memory_space<hbm>>
      %dma_wait3A_24 = tpu.memref_squeeze %dma_wait3A_23 : memref<1x79x128xi32, #tpu.memory_space<hbm>> -> memref<79x128xi32, #tpu.memory_space<hbm>>
      tpu.wait_dma2 semaphore(%run_scoped3A : memref<!tpu.dma_semaphore, #tpu.memory_space<semaphore_mem>>) src(%dma_wait3A_24 : memref<79x128xi32, #tpu.memory_space<hbm>>) dst(%arg7 : memref<79x128xi32, #tpu.memory_space<vmem>>)
      tpu.yield
    }) : () -> ()
    "tpu.region"() ({
      %run_scoped3A = tpu.sem_alloc : memref<!tpu.dma_semaphore, #tpu.memory_space<semaphore_mem>>
      %dma_start3A = arith.constant 0 : i32
      %dma_start3A_11 = arith.constant 0 : i32
      %dma_start3A_12 = tpu.memref_slice %arg4[%add3A, %dma_start3A, %dma_start3A_11] : memref<32x79x128xi32, #tpu.memory_space<hbm>> -> memref<1x79x128xi32, #tpu.memory_space<hbm>>
      %dma_start3A_13 = tpu.memref_squeeze %dma_start3A_12 : memref<1x79x128xi32, #tpu.memory_space<hbm>> -> memref<79x128xi32, #tpu.memory_space<hbm>>
      %dma_start3A_14 = arith.constant 0 : i32
      %dma_start3A_15 = arith.constant 0 : i32
      %dma_start3A_16 = tpu.memref_slice %arg4[%add3A, %dma_start3A_14, %dma_start3A_15] : memref<32x79x128xi32, #tpu.memory_space<hbm>> -> memref<1x79x128xi32, #tpu.memory_space<hbm>>
      %dma_start3A_17 = tpu.memref_squeeze %dma_start3A_16 : memref<1x79x128xi32, #tpu.memory_space<hbm>> -> memref<79x128xi32, #tpu.memory_space<hbm>>
      tpu.enqueue_dma source(%dma_start3A_17 : memref<79x128xi32, #tpu.memory_space<hbm>>) target(%arg8 : memref<79x128xi32, #tpu.memory_space<vmem>>) target_semaphore(%run_scoped3A : memref<!tpu.dma_semaphore, #tpu.memory_space<semaphore_mem>>)
      %dma_wait3A = arith.constant 0 : i32
      %dma_wait3A_18 = arith.constant 0 : i32
      %dma_wait3A_19 = tpu.memref_slice %arg4[%add3A, %dma_wait3A, %dma_wait3A_18] : memref<32x79x128xi32, #tpu.memory_space<hbm>> -> memref<1x79x128xi32, #tpu.memory_space<hbm>>
      %dma_wait3A_20 = tpu.memref_squeeze %dma_wait3A_19 : memref<1x79x128xi32, #tpu.memory_space<hbm>> -> memref<79x128xi32, #tpu.memory_space<hbm>>
      %dma_wait3A_21 = arith.constant 0 : i32
      %dma_wait3A_22 = arith.constant 0 : i32
      %dma_wait3A_23 = tpu.memref_slice %arg4[%add3A, %dma_wait3A_21, %dma_wait3A_22] : memref<32x79x128xi32, #tpu.memory_space<hbm>> -> memref<1x79x128xi32, #tpu.memory_space<hbm>>
      %dma_wait3A_24 = tpu.memref_squeeze %dma_wait3A_23 : memref<1x79x128xi32, #tpu.memory_space<hbm>> -> memref<79x128xi32, #tpu.memory_space<hbm>>
      tpu.wait_dma2 semaphore(%run_scoped3A : memref<!tpu.dma_semaphore, #tpu.memory_space<semaphore_mem>>) src(%dma_wait3A_24 : memref<79x128xi32, #tpu.memory_space<hbm>>) dst(%arg8 : memref<79x128xi32, #tpu.memory_space<vmem>>)
      tpu.yield
    }) : () -> ()
    %eq3A = arith.constant 0 : i32
    %eq3A_1 = arith.cmpi eq, %arg1, %eq3A : i32
    %convert_element_type3A = arith.extui %eq3A_1 : i1 to i32
    %cond3A = arith.constant 0 : i32
    %cond3A_2 = arith.cmpi ne, %convert_element_type3A, %cond3A : i32
    scf.if %cond3A_2 {
      "tpu.region"() ({
        %run_scoped3A = tpu.sem_alloc : memref<!tpu.dma_semaphore, #tpu.memory_space<semaphore_mem>>
        tpu.enqueue_dma source(%arg5 : memref<10240x128xf32, #tpu.memory_space<hbm>>) target(%arg10 : memref<10240x128xf32, #tpu.memory_space<vmem_shared>>) target_semaphore(%run_scoped3A : memref<!tpu.dma_semaphore, #tpu.memory_space<semaphore_mem>>)
        tpu.wait_dma2 semaphore(%run_scoped3A : memref<!tpu.dma_semaphore, #tpu.memory_space<semaphore_mem>>) src(%arg5 : memref<10240x128xf32, #tpu.memory_space<hbm>>) dst(%arg10 : memref<10240x128xf32, #tpu.memory_space<vmem_shared>>)
        tpu.yield
      }) : () -> ()
    } else {
    }
    %barrier3A = arith.constant 0 : index
    tpu.barrier barrier_id(%barrier3A)
    %scan3A = arith.constant 0 : i32
    %scan3A_3 = arith.constant 0 : i32
    %scan3A_4 = arith.constant 79 : i32
    %scan3A_5 = arith.addi %scan3A_3, %scan3A_4 : i32
    %scan3A_6 = arith.constant 1 : i32
    scf.for %scan3A_11 = %scan3A_3 to %scan3A_5 step %scan3A_6  : i32 {
      %dma_start3A = arith.constant 0 : i32
      %dma_start3A_12 = tpu.memref_slice %arg7[%scan3A_11, %dma_start3A] : memref<79x128xi32, #tpu.memory_space<vmem>> -> memref<1x128xi32, #tpu.memory_space<vmem>>
      %dma_start3A_13 = tpu.memref_squeeze %dma_start3A_12 : memref<1x128xi32, #tpu.memory_space<vmem>> -> memref<128xi32, #tpu.memory_space<vmem>>
      %dma_start3A_14 = arith.constant 0 : i32
      %dma_start3A_15 = arith.constant 0 : i32
      %dma_start3A_16 = tpu.memref_slice %arg2[%dma_start3A_14, %dma_start3A_15] : memref<10240x128xf32, #tpu.memory_space<hbm>> -> memref<10240x128xf32, #tpu.memory_space<hbm>>
      tpu.enqueue_indirect_dma source(%dma_start3A_16 : memref<10240x128xf32, #tpu.memory_space<hbm>>) target(%arg9 : memref<128x128xf32, #tpu.memory_space<vmem>>) offsets(%dma_start3A_13 : memref<128xi32, #tpu.memory_space<vmem>>) semaphore(%arg11 : memref<!tpu.dma_semaphore, #tpu.memory_space<semaphore_mem>>)
      %dma_wait3A = arith.constant 0 : i32
      %dma_wait3A_17 = tpu.memref_slice %arg7[%scan3A_11, %dma_wait3A] : memref<79x128xi32, #tpu.memory_space<vmem>> -> memref<1x128xi32, #tpu.memory_space<vmem>>
      %dma_wait3A_18 = tpu.memref_squeeze %dma_wait3A_17 : memref<1x128xi32, #tpu.memory_space<vmem>> -> memref<128xi32, #tpu.memory_space<vmem>>
      %dma_wait3A_19 = arith.constant 0 : i32
      %dma_wait3A_20 = arith.constant 0 : i32
      %dma_wait3A_21 = tpu.memref_slice %arg2[%dma_wait3A_19, %dma_wait3A_20] : memref<10240x128xf32, #tpu.memory_space<hbm>> -> memref<10240x128xf32, #tpu.memory_space<hbm>>
      tpu.wait_indirect_dma semaphore(%arg11 : memref<!tpu.dma_semaphore, #tpu.memory_space<semaphore_mem>>) src(%dma_wait3A_21 : memref<10240x128xf32, #tpu.memory_space<hbm>>) dst(%arg9 : memref<128x128xf32, #tpu.memory_space<vmem>>)
      "tpu.region"() ({
        %run_scoped3A = tpu.sem_alloc : memref<!tpu.dma_semaphore, #tpu.memory_space<semaphore_mem>>
        %dma_start3A_22 = arith.constant 0 : i32
        %dma_start3A_23 = tpu.memref_slice %arg8[%scan3A_11, %dma_start3A_22] : memref<79x128xi32, #tpu.memory_space<vmem>> -> memref<1x128xi32, #tpu.memory_space<vmem>>
        %dma_start3A_24 = tpu.memref_squeeze %dma_start3A_23 : memref<1x128xi32, #tpu.memory_space<vmem>> -> memref<128xi32, #tpu.memory_space<vmem>>
        %dma_start3A_25 = arith.constant 0 : i32
        %dma_start3A_26 = arith.constant 0 : i32
        %dma_start3A_27 = tpu.memref_slice %arg10[%dma_start3A_25, %dma_start3A_26] : memref<10240x128xf32, #tpu.memory_space<vmem_shared>> -> memref<10240x128xf32, #tpu.memory_space<vmem_shared>>
        tpu.enqueue_indirect_dma source(%arg9 : memref<128x128xf32, #tpu.memory_space<vmem>>) target(%dma_start3A_27 : memref<10240x128xf32, #tpu.memory_space<vmem_shared>>) offsets(%dma_start3A_24 : memref<128xi32, #tpu.memory_space<vmem>>) semaphore(%run_scoped3A : memref<!tpu.dma_semaphore, #tpu.memory_space<semaphore_mem>>) {add = true}
        %dma_wait3A_28 = arith.constant 0 : i32
        %dma_wait3A_29 = tpu.memref_slice %arg8[%scan3A_11, %dma_wait3A_28] : memref<79x128xi32, #tpu.memory_space<vmem>> -> memref<1x128xi32, #tpu.memory_space<vmem>>
        %dma_wait3A_30 = tpu.memref_squeeze %dma_wait3A_29 : memref<1x128xi32, #tpu.memory_space<vmem>> -> memref<128xi32, #tpu.memory_space<vmem>>
        %dma_wait3A_31 = arith.constant 0 : i32
        %dma_wait3A_32 = arith.constant 0 : i32
        %dma_wait3A_33 = tpu.memref_slice %arg10[%dma_wait3A_31, %dma_wait3A_32] : memref<10240x128xf32, #tpu.memory_space<vmem_shared>> -> memref<10240x128xf32, #tpu.memory_space<vmem_shared>>
        tpu.wait_indirect_dma semaphore(%run_scoped3A : memref<!tpu.dma_semaphore, #tpu.memory_space<semaphore_mem>>) src(%arg9 : memref<128x128xf32, #tpu.memory_space<vmem>>) dst(%dma_wait3A_33 : memref<10240x128xf32, #tpu.memory_space<vmem_shared>>)
        tpu.yield
      }) : () -> ()
    }
    %scan3A_7 = arith.constant 79 : i32
    %barrier3A_8 = arith.constant 0 : index
    tpu.barrier barrier_id(%barrier3A_8)
    %mul3A_9 = arith.constant 640 : i32
    %mul3A_10 = arith.muli %arg1, %mul3A_9 : i32
    "tpu.region"() ({
      %run_scoped3A = tpu.sem_alloc : memref<!tpu.dma_semaphore, #tpu.memory_space<semaphore_mem>>
      %dma_start3A = arith.constant 0 : i32
      %dma_start3A_11 = tpu.memref_slice %arg6[%arg0, %mul3A_10, %dma_start3A] : memref<2x10240x128xf32, #tpu.memory_space<hbm>> -> memref<1x640x128xf32, #tpu.memory_space<hbm>>
      %dma_start3A_12 = tpu.memref_squeeze %dma_start3A_11 : memref<1x640x128xf32, #tpu.memory_space<hbm>> -> memref<640x128xf32, #tpu.memory_space<hbm>>
      %dma_start3A_13 = arith.constant 0 : i32
      %dma_start3A_14 = tpu.memref_slice %arg10[%mul3A_10, %dma_start3A_13] : memref<10240x128xf32, #tpu.memory_space<vmem_shared>> -> memref<640x128xf32, #tpu.memory_space<vmem_shared>>
      tpu.enqueue_dma source(%dma_start3A_14 : memref<640x128xf32, #tpu.memory_space<vmem_shared>>) target(%dma_start3A_12 : memref<640x128xf32, #tpu.memory_space<hbm>>) target_semaphore(%run_scoped3A : memref<!tpu.dma_semaphore, #tpu.memory_space<semaphore_mem>>)
      %dma_wait3A = arith.constant 0 : i32
      %dma_wait3A_15 = tpu.memref_slice %arg6[%arg0, %mul3A_10, %dma_wait3A] : memref<2x10240x128xf32, #tpu.memory_space<hbm>> -> memref<1x640x128xf32, #tpu.memory_space<hbm>>
      %dma_wait3A_16 = tpu.memref_squeeze %dma_wait3A_15 : memref<1x640x128xf32, #tpu.memory_space<hbm>> -> memref<640x128xf32, #tpu.memory_space<hbm>>
      %dma_wait3A_17 = arith.constant 0 : i32
      %dma_wait3A_18 = tpu.memref_slice %arg10[%mul3A_10, %dma_wait3A_17] : memref<10240x128xf32, #tpu.memory_space<vmem_shared>> -> memref<640x128xf32, #tpu.memory_space<vmem_shared>>
      tpu.wait_dma2 semaphore(%run_scoped3A : memref<!tpu.dma_semaphore, #tpu.memory_space<semaphore_mem>>) src(%dma_wait3A_18 : memref<640x128xf32, #tpu.memory_space<vmem_shared>>) dst(%dma_wait3A_16 : memref<640x128xf32, #tpu.memory_space<hbm>>)
      tpu.yield
    }) : () -> ()
    return
  }
}

#map = affine_map<(d0, d1) -> (0, 0, 0)>
#map1 = affine_map<(d0, d1) -> (0, 0)>
module attributes {stable_mosaic.version = 14 : i64} {
  func.func @deg(%arg0: i32, %arg1: i32, %arg2: memref<32x79x128xi32, #tpu.memory_space<hbm>>, %arg3: memref<10240x16xf32, #tpu.memory_space<hbm>>, %arg4: memref<2x10240x16xf32, #tpu.memory_space<hbm>>, %arg5: memref<79x128xi32, #tpu.memory_space<vmem>>, %arg6: memref<128x16xf32, #tpu.memory_space<vmem>>, %arg7: memref<10240x16xf32, #tpu.memory_space<vmem_shared>>) attributes {dimension_semantics = [#tpu.dimension_semantics<core_parallel>, #tpu.dimension_semantics<subcore_parallel>], iteration_bounds = array<i64: 2, 16>, scalar_prefetch = 0 : i64, scratch_operands = 3 : i64, tpu.core_type = #tpu.core_type<sc_vector_subcore>, window_params = [{transform_indices = #map}, {transform_indices = #map1}, {transform_indices = #map}]} {
    %mul3A = arith.constant 2 : i32
    %mul3A_0 = arith.muli %arg1, %mul3A : i32
    %add3A = arith.addi %mul3A_0, %arg0 : i32
    "tpu.region"() ({
      %run_scoped3A = tpu.sem_alloc : memref<!tpu.dma_semaphore, #tpu.memory_space<semaphore_mem>>
      %dma_start3A = arith.constant 0 : i32
      %dma_start3A_18 = arith.constant 0 : i32
      %dma_start3A_19 = tpu.memref_slice %arg2[%add3A, %dma_start3A, %dma_start3A_18] : memref<32x79x128xi32, #tpu.memory_space<hbm>> -> memref<1x79x128xi32, #tpu.memory_space<hbm>>
      %dma_start3A_20 = tpu.memref_squeeze %dma_start3A_19 : memref<1x79x128xi32, #tpu.memory_space<hbm>> -> memref<79x128xi32, #tpu.memory_space<hbm>>
      %dma_start3A_21 = arith.constant 0 : i32
      %dma_start3A_22 = arith.constant 0 : i32
      %dma_start3A_23 = tpu.memref_slice %arg2[%add3A, %dma_start3A_21, %dma_start3A_22] : memref<32x79x128xi32, #tpu.memory_space<hbm>> -> memref<1x79x128xi32, #tpu.memory_space<hbm>>
      %dma_start3A_24 = tpu.memref_squeeze %dma_start3A_23 : memref<1x79x128xi32, #tpu.memory_space<hbm>> -> memref<79x128xi32, #tpu.memory_space<hbm>>
      tpu.enqueue_dma source(%dma_start3A_24 : memref<79x128xi32, #tpu.memory_space<hbm>>) target(%arg5 : memref<79x128xi32, #tpu.memory_space<vmem>>) target_semaphore(%run_scoped3A : memref<!tpu.dma_semaphore, #tpu.memory_space<semaphore_mem>>)
      %dma_wait3A = arith.constant 0 : i32
      %dma_wait3A_25 = arith.constant 0 : i32
      %dma_wait3A_26 = tpu.memref_slice %arg2[%add3A, %dma_wait3A, %dma_wait3A_25] : memref<32x79x128xi32, #tpu.memory_space<hbm>> -> memref<1x79x128xi32, #tpu.memory_space<hbm>>
      %dma_wait3A_27 = tpu.memref_squeeze %dma_wait3A_26 : memref<1x79x128xi32, #tpu.memory_space<hbm>> -> memref<79x128xi32, #tpu.memory_space<hbm>>
      %dma_wait3A_28 = arith.constant 0 : i32
      %dma_wait3A_29 = arith.constant 0 : i32
      %dma_wait3A_30 = tpu.memref_slice %arg2[%add3A, %dma_wait3A_28, %dma_wait3A_29] : memref<32x79x128xi32, #tpu.memory_space<hbm>> -> memref<1x79x128xi32, #tpu.memory_space<hbm>>
      %dma_wait3A_31 = tpu.memref_squeeze %dma_wait3A_30 : memref<1x79x128xi32, #tpu.memory_space<hbm>> -> memref<79x128xi32, #tpu.memory_space<hbm>>
      tpu.wait_dma2 semaphore(%run_scoped3A : memref<!tpu.dma_semaphore, #tpu.memory_space<semaphore_mem>>) src(%dma_wait3A_31 : memref<79x128xi32, #tpu.memory_space<hbm>>) dst(%arg5 : memref<79x128xi32, #tpu.memory_space<vmem>>)
      tpu.yield
    }) : () -> ()
    %broadcast_in_dim3A = arith.constant 1.000000e+00 : f32
    %broadcast_in_dim3A_1 = vector.broadcast %broadcast_in_dim3A : f32 to vector<16xf32>
    %scan3A = arith.constant 0 : i32
    %scan3A_2 = arith.constant 0 : i32
    %scan3A_3 = arith.constant 128 : i32
    %scan3A_4 = arith.addi %scan3A_2, %scan3A_3 : i32
    %scan3A_5 = arith.constant 1 : i32
    scf.for %scan3A_18 = %scan3A_2 to %scan3A_4 step %scan3A_5  : i32 {
      %jit3A = arith.constant 1 : i32
      %div3A = arith.divsi %scan3A_18, %jit3A : i32
      %sign3A = arith.constant 0 : i32
      %sign3A_19 = arith.cmpi sgt, %scan3A_18, %sign3A : i32
      %sign3A_20 = arith.extui %sign3A_19 : i1 to i32
      %sign3A_21 = arith.constant 0 : i32
      %sign3A_22 = arith.cmpi slt, %scan3A_18, %sign3A_21 : i32
      %sign3A_23 = arith.extui %sign3A_22 : i1 to i32
      %sign3A_24 = arith.subi %sign3A_20, %sign3A_23 : i32
      %sign3A_25 = arith.constant 0 : i32
      %sign3A_26 = arith.cmpi sgt, %jit3A, %sign3A_25 : i32
      %sign3A_27 = arith.extui %sign3A_26 : i1 to i32
      %sign3A_28 = arith.constant 0 : i32
      %sign3A_29 = arith.cmpi slt, %jit3A, %sign3A_28 : i32
      %sign3A_30 = arith.extui %sign3A_29 : i1 to i32
      %sign3A_31 = arith.subi %sign3A_27, %sign3A_30 : i32
      %ne3A = arith.cmpi ne, %sign3A_24, %sign3A_31 : i32
      %rem3A = arith.remsi %scan3A_18, %jit3A : i32
      %ne3A_32 = arith.constant 0 : i32
      %ne3A_33 = arith.cmpi ne, %rem3A, %ne3A_32 : i32
      %and3A = arith.andi %ne3A, %ne3A_33 : i1
      %sub3A = arith.constant 1 : i32
      %sub3A_34 = arith.subi %div3A, %sub3A : i32
      %select_n3A = arith.select %and3A, %sub3A_34, %div3A : i32
      %jit3A_35 = arith.constant 1 : i32
      %eq3A_36 = arith.constant 0 : i32
      %eq3A_37 = arith.cmpi eq, %jit3A_35, %eq3A_36 : i32
      %jit3A_38 = arith.constant 1 : i32
      %select_n3A_39 = arith.select %eq3A_37, %jit3A_38, %jit3A_35 : i32
      %rem3A_40 = arith.remsi %scan3A_18, %select_n3A_39 : i32
      %ne3A_41 = arith.constant 0 : i32
      %ne3A_42 = arith.cmpi ne, %rem3A_40, %ne3A_41 : i32
      %lt3A = arith.constant 0 : i32
      %lt3A_43 = arith.cmpi slt, %rem3A_40, %lt3A : i32
      %lt3A_44 = arith.constant 0 : i32
      %lt3A_45 = arith.cmpi slt, %select_n3A_39, %lt3A_44 : i32
      %ne3A_46 = arith.xori %lt3A_43, %lt3A_45 : i1
      %and3A_47 = arith.andi %ne3A_46, %ne3A_42 : i1
      %add3A_48 = arith.addi %rem3A_40, %select_n3A_39 : i32
      %select_n3A_49 = arith.select %and3A_47, %add3A_48, %rem3A_40 : i32
      %mul3A_50 = arith.constant 16 : i32
      %mul3A_51 = arith.muli %select_n3A_49, %mul3A_50 : i32
      %swap3A = arith.index_cast %select_n3A : i32 to index
      %swap3A_52 = arith.index_cast %mul3A_51 : i32 to index
      %swap3A_53 = tpu.vector_load %arg6[%swap3A, %swap3A_52] {strides = array<i32>} : memref<128x16xf32, #tpu.memory_space<vmem>>, vector<1x16xf32>,
      %swap3A_54 = vector.shape_cast %swap3A_53 : vector<1x16xf32> to vector<16xf32>
      %swap3A_55 = vector.shape_cast %broadcast_in_dim3A_1 : vector<16xf32> to vector<1x16xf32>
      tpu.vector_store %arg6[%swap3A, %swap3A_52], %swap3A_55 {strides = array<i32>} : memref<128x16xf32, #tpu.memory_space<vmem>>, vector<1x16xf32>,
    }
    %scan3A_6 = arith.constant 128 : i32
    %eq3A = arith.constant 0 : i32
    %eq3A_7 = arith.cmpi eq, %arg1, %eq3A : i32
    %convert_element_type3A = arith.extui %eq3A_7 : i1 to i32
    %cond3A = arith.constant 0 : i32
    %cond3A_8 = arith.cmpi ne, %convert_element_type3A, %cond3A : i32
    scf.if %cond3A_8 {
      "tpu.region"() ({
        %run_scoped3A = tpu.sem_alloc : memref<!tpu.dma_semaphore, #tpu.memory_space<semaphore_mem>>
        tpu.enqueue_dma source(%arg3 : memref<10240x16xf32, #tpu.memory_space<hbm>>) target(%arg7 : memref<10240x16xf32, #tpu.memory_space<vmem_shared>>) target_semaphore(%run_scoped3A : memref<!tpu.dma_semaphore, #tpu.memory_space<semaphore_mem>>)
        tpu.wait_dma2 semaphore(%run_scoped3A : memref<!tpu.dma_semaphore, #tpu.memory_space<semaphore_mem>>) src(%arg3 : memref<10240x16xf32, #tpu.memory_space<hbm>>) dst(%arg7 : memref<10240x16xf32, #tpu.memory_space<vmem_shared>>)
        tpu.yield
      }) : () -> ()
    } else {
    }
    %barrier3A = arith.constant 0 : index
    tpu.barrier barrier_id(%barrier3A)
    %scan3A_9 = arith.constant 0 : i32
    %scan3A_10 = arith.constant 0 : i32
    %scan3A_11 = arith.constant 79 : i32
    %scan3A_12 = arith.addi %scan3A_10, %scan3A_11 : i32
    %scan3A_13 = arith.constant 1 : i32
    scf.for %scan3A_18 = %scan3A_10 to %scan3A_12 step %scan3A_13  : i32 {
      "tpu.region"() ({
        %run_scoped3A = tpu.sem_alloc : memref<!tpu.dma_semaphore, #tpu.memory_space<semaphore_mem>>
        %dma_start3A = arith.constant 0 : i32
        %dma_start3A_19 = tpu.memref_slice %arg5[%scan3A_18, %dma_start3A] : memref<79x128xi32, #tpu.memory_space<vmem>> -> memref<1x128xi32, #tpu.memory_space<vmem>>
        %dma_start3A_20 = tpu.memref_squeeze %dma_start3A_19 : memref<1x128xi32, #tpu.memory_space<vmem>> -> memref<128xi32, #tpu.memory_space<vmem>>
        %dma_start3A_21 = arith.constant 0 : i32
        %dma_start3A_22 = arith.constant 0 : i32
        %dma_start3A_23 = tpu.memref_slice %arg7[%dma_start3A_21, %dma_start3A_22] : memref<10240x16xf32, #tpu.memory_space<vmem_shared>> -> memref<10240x16xf32, #tpu.memory_space<vmem_shared>>
        tpu.enqueue_indirect_dma source(%arg6 : memref<128x16xf32, #tpu.memory_space<vmem>>) target(%dma_start3A_23 : memref<10240x16xf32, #tpu.memory_space<vmem_shared>>) offsets(%dma_start3A_20 : memref<128xi32, #tpu.memory_space<vmem>>) semaphore(%run_scoped3A : memref<!tpu.dma_semaphore, #tpu.memory_space<semaphore_mem>>) {add = true}
        %dma_wait3A = arith.constant 0 : i32
        %dma_wait3A_24 = tpu.memref_slice %arg5[%scan3A_18, %dma_wait3A] : memref<79x128xi32, #tpu.memory_space<vmem>> -> memref<1x128xi32, #tpu.memory_space<vmem>>
        %dma_wait3A_25 = tpu.memref_squeeze %dma_wait3A_24 : memref<1x128xi32, #tpu.memory_space<vmem>> -> memref<128xi32, #tpu.memory_space<vmem>>
        %dma_wait3A_26 = arith.constant 0 : i32
        %dma_wait3A_27 = arith.constant 0 : i32
        %dma_wait3A_28 = tpu.memref_slice %arg7[%dma_wait3A_26, %dma_wait3A_27] : memref<10240x16xf32, #tpu.memory_space<vmem_shared>> -> memref<10240x16xf32, #tpu.memory_space<vmem_shared>>
        tpu.wait_indirect_dma semaphore(%run_scoped3A : memref<!tpu.dma_semaphore, #tpu.memory_space<semaphore_mem>>) src(%arg6 : memref<128x16xf32, #tpu.memory_space<vmem>>) dst(%dma_wait3A_28 : memref<10240x16xf32, #tpu.memory_space<vmem_shared>>)
        tpu.yield
      }) : () -> ()
    }
    %scan3A_14 = arith.constant 79 : i32
    %barrier3A_15 = arith.constant 0 : index
    tpu.barrier barrier_id(%barrier3A_15)
    %mul3A_16 = arith.constant 640 : i32
    %mul3A_17 = arith.muli %arg1, %mul3A_16 : i32
    "tpu.region"() ({
      %run_scoped3A = tpu.sem_alloc : memref<!tpu.dma_semaphore, #tpu.memory_space<semaphore_mem>>
      %dma_start3A = arith.constant 0 : i32
      %dma_start3A_18 = tpu.memref_slice %arg4[%arg0, %mul3A_17, %dma_start3A] : memref<2x10240x16xf32, #tpu.memory_space<hbm>> -> memref<1x640x16xf32, #tpu.memory_space<hbm>>
      %dma_start3A_19 = tpu.memref_squeeze %dma_start3A_18 : memref<1x640x16xf32, #tpu.memory_space<hbm>> -> memref<640x16xf32, #tpu.memory_space<hbm>>
      %dma_start3A_20 = arith.constant 0 : i32
      %dma_start3A_21 = tpu.memref_slice %arg7[%mul3A_17, %dma_start3A_20] : memref<10240x16xf32, #tpu.memory_space<vmem_shared>> -> memref<640x16xf32, #tpu.memory_space<vmem_shared>>
      tpu.enqueue_dma source(%dma_start3A_21 : memref<640x16xf32, #tpu.memory_space<vmem_shared>>) target(%dma_start3A_19 : memref<640x16xf32, #tpu.memory_space<hbm>>) target_semaphore(%run_scoped3A : memref<!tpu.dma_semaphore, #tpu.memory_space<semaphore_mem>>)
      %dma_wait3A = arith.constant 0 : i32
      %dma_wait3A_22 = tpu.memref_slice %arg4[%arg0, %mul3A_17, %dma_wait3A] : memref<2x10240x16xf32, #tpu.memory_space<hbm>> -> memref<1x640x16xf32, #tpu.memory_space<hbm>>
      %dma_wait3A_23 = tpu.memref_squeeze %dma_wait3A_22 : memref<1x640x16xf32, #tpu.memory_space<hbm>> -> memref<640x16xf32, #tpu.memory_space<hbm>>
      %dma_wait3A_24 = arith.constant 0 : i32
      %dma_wait3A_25 = tpu.memref_slice %arg7[%mul3A_17, %dma_wait3A_24] : memref<10240x16xf32, #tpu.memory_space<vmem_shared>> -> memref<640x16xf32, #tpu.memory_space<vmem_shared>>
      tpu.wait_dma2 semaphore(%run_scoped3A : memref<!tpu.dma_semaphore, #tpu.memory_space<semaphore_mem>>) src(%dma_wait3A_25 : memref<640x16xf32, #tpu.memory_space<vmem_shared>>) dst(%dma_wait3A_23 : memref<640x16xf32, #tpu.memory_space<hbm>>)
      tpu.yield
    }) : () -> ()
    return
  }
}

#map = affine_map<(d0, d1) -> (0, 0)>
#map1 = affine_map<(d0, d1) -> (0, 0, 0)>
module attributes {stable_mosaic.version = 14 : i64} {
  func.func @agg(%arg0: i32, %arg1: i32, %arg2: memref<10240x128xf32, #tpu.memory_space<hbm>>, %arg3: memref<32x79x128xi32, #tpu.memory_space<hbm>>, %arg4: memref<32x79x128xi32, #tpu.memory_space<hbm>>, %arg5: memref<10240x128xf32, #tpu.memory_space<hbm>>, %arg6: memref<2x10240x128xf32, #tpu.memory_space<hbm>>, %arg7: memref<79x128xi32, #tpu.memory_space<vmem>>, %arg8: memref<79x128xi32, #tpu.memory_space<vmem>>, %arg9: memref<128x128xf32, #tpu.memory_space<vmem>>, %arg10: memref<10240x128xf32, #tpu.memory_space<vmem_shared>>, %arg11: memref<!tpu.dma_semaphore, #tpu.memory_space<semaphore_mem>>) attributes {dimension_semantics = [#tpu.dimension_semantics<core_parallel>, #tpu.dimension_semantics<subcore_parallel>], iteration_bounds = array<i64: 2, 16>, scalar_prefetch = 0 : i64, scratch_operands = 5 : i64, tpu.core_type = #tpu.core_type<sc_vector_subcore>, window_params = [{transform_indices = #map}, {transform_indices = #map1}, {transform_indices = #map1}, {transform_indices = #map}, {transform_indices = #map1}]} {
    %mul3A = arith.constant 2 : i32
    %mul3A_0 = arith.muli %arg1, %mul3A : i32
    %add3A = arith.addi %mul3A_0, %arg0 : i32
    "tpu.region"() ({
      %run_scoped3A = tpu.sem_alloc : memref<!tpu.dma_semaphore, #tpu.memory_space<semaphore_mem>>
      %dma_start3A = arith.constant 0 : i32
      %dma_start3A_11 = arith.constant 0 : i32
      %dma_start3A_12 = tpu.memref_slice %arg3[%add3A, %dma_start3A, %dma_start3A_11] : memref<32x79x128xi32, #tpu.memory_space<hbm>> -> memref<1x79x128xi32, #tpu.memory_space<hbm>>
      %dma_start3A_13 = tpu.memref_squeeze %dma_start3A_12 : memref<1x79x128xi32, #tpu.memory_space<hbm>> -> memref<79x128xi32, #tpu.memory_space<hbm>>
      %dma_start3A_14 = arith.constant 0 : i32
      %dma_start3A_15 = arith.constant 0 : i32
      %dma_start3A_16 = tpu.memref_slice %arg3[%add3A, %dma_start3A_14, %dma_start3A_15] : memref<32x79x128xi32, #tpu.memory_space<hbm>> -> memref<1x79x128xi32, #tpu.memory_space<hbm>>
      %dma_start3A_17 = tpu.memref_squeeze %dma_start3A_16 : memref<1x79x128xi32, #tpu.memory_space<hbm>> -> memref<79x128xi32, #tpu.memory_space<hbm>>
      tpu.enqueue_dma source(%dma_start3A_17 : memref<79x128xi32, #tpu.memory_space<hbm>>) target(%arg7 : memref<79x128xi32, #tpu.memory_space<vmem>>) target_semaphore(%run_scoped3A : memref<!tpu.dma_semaphore, #tpu.memory_space<semaphore_mem>>)
      %dma_wait3A = arith.constant 0 : i32
      %dma_wait3A_18 = arith.constant 0 : i32
      %dma_wait3A_19 = tpu.memref_slice %arg3[%add3A, %dma_wait3A, %dma_wait3A_18] : memref<32x79x128xi32, #tpu.memory_space<hbm>> -> memref<1x79x128xi32, #tpu.memory_space<hbm>>
      %dma_wait3A_20 = tpu.memref_squeeze %dma_wait3A_19 : memref<1x79x128xi32, #tpu.memory_space<hbm>> -> memref<79x128xi32, #tpu.memory_space<hbm>>
      %dma_wait3A_21 = arith.constant 0 : i32
      %dma_wait3A_22 = arith.constant 0 : i32
      %dma_wait3A_23 = tpu.memref_slice %arg3[%add3A, %dma_wait3A_21, %dma_wait3A_22] : memref<32x79x128xi32, #tpu.memory_space<hbm>> -> memref<1x79x128xi32, #tpu.memory_space<hbm>>
      %dma_wait3A_24 = tpu.memref_squeeze %dma_wait3A_23 : memref<1x79x128xi32, #tpu.memory_space<hbm>> -> memref<79x128xi32, #tpu.memory_space<hbm>>
      tpu.wait_dma2 semaphore(%run_scoped3A : memref<!tpu.dma_semaphore, #tpu.memory_space<semaphore_mem>>) src(%dma_wait3A_24 : memref<79x128xi32, #tpu.memory_space<hbm>>) dst(%arg7 : memref<79x128xi32, #tpu.memory_space<vmem>>)
      tpu.yield
    }) : () -> ()
    "tpu.region"() ({
      %run_scoped3A = tpu.sem_alloc : memref<!tpu.dma_semaphore, #tpu.memory_space<semaphore_mem>>
      %dma_start3A = arith.constant 0 : i32
      %dma_start3A_11 = arith.constant 0 : i32
      %dma_start3A_12 = tpu.memref_slice %arg4[%add3A, %dma_start3A, %dma_start3A_11] : memref<32x79x128xi32, #tpu.memory_space<hbm>> -> memref<1x79x128xi32, #tpu.memory_space<hbm>>
      %dma_start3A_13 = tpu.memref_squeeze %dma_start3A_12 : memref<1x79x128xi32, #tpu.memory_space<hbm>> -> memref<79x128xi32, #tpu.memory_space<hbm>>
      %dma_start3A_14 = arith.constant 0 : i32
      %dma_start3A_15 = arith.constant 0 : i32
      %dma_start3A_16 = tpu.memref_slice %arg4[%add3A, %dma_start3A_14, %dma_start3A_15] : memref<32x79x128xi32, #tpu.memory_space<hbm>> -> memref<1x79x128xi32, #tpu.memory_space<hbm>>
      %dma_start3A_17 = tpu.memref_squeeze %dma_start3A_16 : memref<1x79x128xi32, #tpu.memory_space<hbm>> -> memref<79x128xi32, #tpu.memory_space<hbm>>
      tpu.enqueue_dma source(%dma_start3A_17 : memref<79x128xi32, #tpu.memory_space<hbm>>) target(%arg8 : memref<79x128xi32, #tpu.memory_space<vmem>>) target_semaphore(%run_scoped3A : memref<!tpu.dma_semaphore, #tpu.memory_space<semaphore_mem>>)
      %dma_wait3A = arith.constant 0 : i32
      %dma_wait3A_18 = arith.constant 0 : i32
      %dma_wait3A_19 = tpu.memref_slice %arg4[%add3A, %dma_wait3A, %dma_wait3A_18] : memref<32x79x128xi32, #tpu.memory_space<hbm>> -> memref<1x79x128xi32, #tpu.memory_space<hbm>>
      %dma_wait3A_20 = tpu.memref_squeeze %dma_wait3A_19 : memref<1x79x128xi32, #tpu.memory_space<hbm>> -> memref<79x128xi32, #tpu.memory_space<hbm>>
      %dma_wait3A_21 = arith.constant 0 : i32
      %dma_wait3A_22 = arith.constant 0 : i32
      %dma_wait3A_23 = tpu.memref_slice %arg4[%add3A, %dma_wait3A_21, %dma_wait3A_22] : memref<32x79x128xi32, #tpu.memory_space<hbm>> -> memref<1x79x128xi32, #tpu.memory_space<hbm>>
      %dma_wait3A_24 = tpu.memref_squeeze %dma_wait3A_23 : memref<1x79x128xi32, #tpu.memory_space<hbm>> -> memref<79x128xi32, #tpu.memory_space<hbm>>
      tpu.wait_dma2 semaphore(%run_scoped3A : memref<!tpu.dma_semaphore, #tpu.memory_space<semaphore_mem>>) src(%dma_wait3A_24 : memref<79x128xi32, #tpu.memory_space<hbm>>) dst(%arg8 : memref<79x128xi32, #tpu.memory_space<vmem>>)
      tpu.yield
    }) : () -> ()
    %eq3A = arith.constant 0 : i32
    %eq3A_1 = arith.cmpi eq, %arg1, %eq3A : i32
    %convert_element_type3A = arith.extui %eq3A_1 : i1 to i32
    %cond3A = arith.constant 0 : i32
    %cond3A_2 = arith.cmpi ne, %convert_element_type3A, %cond3A : i32
    scf.if %cond3A_2 {
      "tpu.region"() ({
        %run_scoped3A = tpu.sem_alloc : memref<!tpu.dma_semaphore, #tpu.memory_space<semaphore_mem>>
        tpu.enqueue_dma source(%arg5 : memref<10240x128xf32, #tpu.memory_space<hbm>>) target(%arg10 : memref<10240x128xf32, #tpu.memory_space<vmem_shared>>) target_semaphore(%run_scoped3A : memref<!tpu.dma_semaphore, #tpu.memory_space<semaphore_mem>>)
        tpu.wait_dma2 semaphore(%run_scoped3A : memref<!tpu.dma_semaphore, #tpu.memory_space<semaphore_mem>>) src(%arg5 : memref<10240x128xf32, #tpu.memory_space<hbm>>) dst(%arg10 : memref<10240x128xf32, #tpu.memory_space<vmem_shared>>)
        tpu.yield
      }) : () -> ()
    } else {
    }
    %barrier3A = arith.constant 0 : index
    tpu.barrier barrier_id(%barrier3A)
    %scan3A = arith.constant 0 : i32
    %scan3A_3 = arith.constant 0 : i32
    %scan3A_4 = arith.constant 79 : i32
    %scan3A_5 = arith.addi %scan3A_3, %scan3A_4 : i32
    %scan3A_6 = arith.constant 1 : i32
    scf.for %scan3A_11 = %scan3A_3 to %scan3A_5 step %scan3A_6  : i32 {
      %dma_start3A = arith.constant 0 : i32
      %dma_start3A_12 = tpu.memref_slice %arg7[%scan3A_11, %dma_start3A] : memref<79x128xi32, #tpu.memory_space<vmem>> -> memref<1x128xi32, #tpu.memory_space<vmem>>
      %dma_start3A_13 = tpu.memref_squeeze %dma_start3A_12 : memref<1x128xi32, #tpu.memory_space<vmem>> -> memref<128xi32, #tpu.memory_space<vmem>>
      %dma_start3A_14 = arith.constant 0 : i32
      %dma_start3A_15 = arith.constant 0 : i32
      %dma_start3A_16 = tpu.memref_slice %arg2[%dma_start3A_14, %dma_start3A_15] : memref<10240x128xf32, #tpu.memory_space<hbm>> -> memref<10240x128xf32, #tpu.memory_space<hbm>>
      tpu.enqueue_indirect_dma source(%dma_start3A_16 : memref<10240x128xf32, #tpu.memory_space<hbm>>) target(%arg9 : memref<128x128xf32, #tpu.memory_space<vmem>>) offsets(%dma_start3A_13 : memref<128xi32, #tpu.memory_space<vmem>>) semaphore(%arg11 : memref<!tpu.dma_semaphore, #tpu.memory_space<semaphore_mem>>)
      %dma_wait3A = arith.constant 0 : i32
      %dma_wait3A_17 = tpu.memref_slice %arg7[%scan3A_11, %dma_wait3A] : memref<79x128xi32, #tpu.memory_space<vmem>> -> memref<1x128xi32, #tpu.memory_space<vmem>>
      %dma_wait3A_18 = tpu.memref_squeeze %dma_wait3A_17 : memref<1x128xi32, #tpu.memory_space<vmem>> -> memref<128xi32, #tpu.memory_space<vmem>>
      %dma_wait3A_19 = arith.constant 0 : i32
      %dma_wait3A_20 = arith.constant 0 : i32
      %dma_wait3A_21 = tpu.memref_slice %arg2[%dma_wait3A_19, %dma_wait3A_20] : memref<10240x128xf32, #tpu.memory_space<hbm>> -> memref<10240x128xf32, #tpu.memory_space<hbm>>
      tpu.wait_indirect_dma semaphore(%arg11 : memref<!tpu.dma_semaphore, #tpu.memory_space<semaphore_mem>>) src(%dma_wait3A_21 : memref<10240x128xf32, #tpu.memory_space<hbm>>) dst(%arg9 : memref<128x128xf32, #tpu.memory_space<vmem>>)
      "tpu.region"() ({
        %run_scoped3A = tpu.sem_alloc : memref<!tpu.dma_semaphore, #tpu.memory_space<semaphore_mem>>
        %dma_start3A_22 = arith.constant 0 : i32
        %dma_start3A_23 = tpu.memref_slice %arg8[%scan3A_11, %dma_start3A_22] : memref<79x128xi32, #tpu.memory_space<vmem>> -> memref<1x128xi32, #tpu.memory_space<vmem>>
        %dma_start3A_24 = tpu.memref_squeeze %dma_start3A_23 : memref<1x128xi32, #tpu.memory_space<vmem>> -> memref<128xi32, #tpu.memory_space<vmem>>
        %dma_start3A_25 = arith.constant 0 : i32
        %dma_start3A_26 = arith.constant 0 : i32
        %dma_start3A_27 = tpu.memref_slice %arg10[%dma_start3A_25, %dma_start3A_26] : memref<10240x128xf32, #tpu.memory_space<vmem_shared>> -> memref<10240x128xf32, #tpu.memory_space<vmem_shared>>
        tpu.enqueue_indirect_dma source(%arg9 : memref<128x128xf32, #tpu.memory_space<vmem>>) target(%dma_start3A_27 : memref<10240x128xf32, #tpu.memory_space<vmem_shared>>) offsets(%dma_start3A_24 : memref<128xi32, #tpu.memory_space<vmem>>) semaphore(%run_scoped3A : memref<!tpu.dma_semaphore, #tpu.memory_space<semaphore_mem>>) {add = true}
        %dma_wait3A_28 = arith.constant 0 : i32
        %dma_wait3A_29 = tpu.memref_slice %arg8[%scan3A_11, %dma_wait3A_28] : memref<79x128xi32, #tpu.memory_space<vmem>> -> memref<1x128xi32, #tpu.memory_space<vmem>>
        %dma_wait3A_30 = tpu.memref_squeeze %dma_wait3A_29 : memref<1x128xi32, #tpu.memory_space<vmem>> -> memref<128xi32, #tpu.memory_space<vmem>>
        %dma_wait3A_31 = arith.constant 0 : i32
        %dma_wait3A_32 = arith.constant 0 : i32
        %dma_wait3A_33 = tpu.memref_slice %arg10[%dma_wait3A_31, %dma_wait3A_32] : memref<10240x128xf32, #tpu.memory_space<vmem_shared>> -> memref<10240x128xf32, #tpu.memory_space<vmem_shared>>
        tpu.wait_indirect_dma semaphore(%run_scoped3A : memref<!tpu.dma_semaphore, #tpu.memory_space<semaphore_mem>>) src(%arg9 : memref<128x128xf32, #tpu.memory_space<vmem>>) dst(%dma_wait3A_33 : memref<10240x128xf32, #tpu.memory_space<vmem_shared>>)
        tpu.yield
      }) : () -> ()
    }
    %scan3A_7 = arith.constant 79 : i32
    %barrier3A_8 = arith.constant 0 : index
    tpu.barrier barrier_id(%barrier3A_8)
    %mul3A_9 = arith.constant 640 : i32
    %mul3A_10 = arith.muli %arg1, %mul3A_9 : i32
    "tpu.region"() ({
      %run_scoped3A = tpu.sem_alloc : memref<!tpu.dma_semaphore, #tpu.memory_space<semaphore_mem>>
      %dma_start3A = arith.constant 0 : i32
      %dma_start3A_11 = tpu.memref_slice %arg6[%arg0, %mul3A_10, %dma_start3A] : memref<2x10240x128xf32, #tpu.memory_space<hbm>> -> memref<1x640x128xf32, #tpu.memory_space<hbm>>
      %dma_start3A_12 = tpu.memref_squeeze %dma_start3A_11 : memref<1x640x128xf32, #tpu.memory_space<hbm>> -> memref<640x128xf32, #tpu.memory_space<hbm>>
      %dma_start3A_13 = arith.constant 0 : i32
      %dma_start3A_14 = tpu.memref_slice %arg10[%mul3A_10, %dma_start3A_13] : memref<10240x128xf32, #tpu.memory_space<vmem_shared>> -> memref<640x128xf32, #tpu.memory_space<vmem_shared>>
      tpu.enqueue_dma source(%dma_start3A_14 : memref<640x128xf32, #tpu.memory_space<vmem_shared>>) target(%dma_start3A_12 : memref<640x128xf32, #tpu.memory_space<hbm>>) target_semaphore(%run_scoped3A : memref<!tpu.dma_semaphore, #tpu.memory_space<semaphore_mem>>)
      %dma_wait3A = arith.constant 0 : i32
      %dma_wait3A_15 = tpu.memref_slice %arg6[%arg0, %mul3A_10, %dma_wait3A] : memref<2x10240x128xf32, #tpu.memory_space<hbm>> -> memref<1x640x128xf32, #tpu.memory_space<hbm>>
      %dma_wait3A_16 = tpu.memref_squeeze %dma_wait3A_15 : memref<1x640x128xf32, #tpu.memory_space<hbm>> -> memref<640x128xf32, #tpu.memory_space<hbm>>
      %dma_wait3A_17 = arith.constant 0 : i32
      %dma_wait3A_18 = tpu.memref_slice %arg10[%mul3A_10, %dma_wait3A_17] : memref<10240x128xf32, #tpu.memory_space<vmem_shared>> -> memref<640x128xf32, #tpu.memory_space<vmem_shared>>
      tpu.wait_dma2 semaphore(%run_scoped3A : memref<!tpu.dma_semaphore, #tpu.memory_space<semaphore_mem>>) src(%dma_wait3A_18 : memref<640x128xf32, #tpu.memory_space<vmem_shared>>) dst(%dma_wait3A_16 : memref<640x128xf32, #tpu.memory_space<hbm>>)
      tpu.yield
    }) : () -> ()
    return
  }
}

module attributes {stable_mosaic.version = 14 : i64} {
  func.func @_scale_in_body(%arg0: i32, %arg1: memref<1024x128xf32, #tpu.memory_space<vmem>>, %arg2: memref<2x1024x16xf32, #tpu.memory_space<vmem>>, %arg3: memref<128x128xf32, #tpu.memory_space<vmem>>, %arg4: memref<1024x128xf32, #tpu.memory_space<vmem>>) attributes {dimension_semantics = [#tpu.dimension_semantics<arbitrary>], iteration_bounds = array<i64: 10>, scalar_prefetch = 0 : i64, scratch_operands = 0 : i64, tpu.core_type = #tpu.core_type<tc>, window_params = [{transform_indices = @transform_0, window_bounds = array<i64: 1024, 128>}, {transform_indices = @transform_1, window_bounds = array<i64: 2, 1024, 16>}, {pipeline_mode = #tpu.pipeline_mode<synchronous>, transform_indices = @transform_2, window_bounds = array<i64: 128, 128>}, {transform_indices = @transform_3, window_bounds = array<i64: 1024, 128>}]} {
    %get3A = arith.constant 0 : index
    %get3A_0 = arith.constant 0 : index
    %get3A_1 = arith.constant 0 : index
    %get3A_2 = vector.load %arg2[%get3A, %get3A_0, %get3A_1] : memref<2x1024x16xf32, #tpu.memory_space<vmem>>, vector<1x1024x1xf32>
    %get3A_3 = vector.shape_cast %get3A_2 : vector<1x1024x1xf32> to vector<1024xf32>
    %get3A_4 = arith.constant 1 : index
    %get3A_5 = arith.constant 0 : index
    %get3A_6 = arith.constant 0 : index
    %get3A_7 = vector.load %arg2[%get3A_4, %get3A_5, %get3A_6] : memref<2x1024x16xf32, #tpu.memory_space<vmem>>, vector<1x1024x1xf32>
    %get3A_8 = vector.shape_cast %get3A_7 : vector<1x1024x1xf32> to vector<1024xf32>
    %add3A = arith.addf %get3A_3, %get3A_8 : vector<1024xf32>
    %add3A_9 = arith.constant 1.000000e+00 : f32
    %add3A_10 = vector.broadcast %add3A_9 : f32 to vector<1024xf32>
    %add3A_11 = arith.addf %add3A, %add3A_10 : vector<1024xf32>
    %rsqrt3A = math.rsqrt %add3A_11 : vector<1024xf32>
    %get3A_12 = arith.constant 0 : index
    %get3A_13 = arith.constant 0 : index
    %get3A_14 = vector.load %arg1[%get3A_12, %get3A_13] : memref<1024x128xf32, #tpu.memory_space<vmem>>, vector<1024x128xf32>
    %get3A_15 = arith.constant 0 : index
    %get3A_16 = arith.constant 0 : index
    %get3A_17 = vector.load %arg3[%get3A_15, %get3A_16] : memref<128x128xf32, #tpu.memory_space<vmem>>, vector<128x128xf32>
    %dot_general3A = arith.constant dense<0.000000e+00> : vector<1024x128xf32>
    %dot_general3A_18 = tpu.matmul %get3A_14, %get3A_17, %dot_general3A {dimension_numbers = #tpu.dot_dimension_numbers<[1], [0], [0], [1], [0, 0, 1, 1], [], []>, transpose_lhs_hint = false} : vector<1024x128xf32>, vector<128x128xf32>, vector<1024x128xf32> -> vector<1024x128xf32>
    %broadcast_in_dim3A = vector.shape_cast %rsqrt3A : vector<1024xf32> to vector<1024x1xf32>
    %mul3A = vector.broadcast %broadcast_in_dim3A : vector<1024x1xf32> to vector<1024x128xf32>
    %mul3A_19 = arith.mulf %dot_general3A_18, %mul3A : vector<1024x128xf32>
    %swap3A = arith.constant 0 : index
    %swap3A_20 = arith.constant 0 : index
    %swap3A_21 = vector.load %arg4[%swap3A, %swap3A_20] : memref<1024x128xf32, #tpu.memory_space<vmem>>, vector<1024x128xf32>
    tpu.vector_store %arg4[%swap3A, %swap3A_20], %mul3A_19 {strides = array<i32>} : memref<1024x128xf32, #tpu.memory_space<vmem>>, vector<1024x128xf32>,
    return
  }
  func.func @transform_0(%arg0: i32) -> (i32, i32) {
    %c0_i32 = arith.constant 0 : i32
    %c0_i32_0 = arith.constant 0 : i32
    return %arg0, %c0_i32 : i32, i32
  }
  func.func @transform_1(%arg0: i32) -> (i32, i32, i32) {
    %c0_i32 = arith.constant 0 : i32
    %c0_i32_0 = arith.constant 0 : i32
    %c0_i32_1 = arith.constant 0 : i32
    return %c0_i32, %arg0, %c0_i32_0 : i32, i32, i32
  }
  func.func @transform_2(%arg0: i32) -> (i32, i32) {
    %c0_i32 = arith.constant 0 : i32
    %c0_i32_0 = arith.constant 0 : i32
    %c0_i32_1 = arith.constant 0 : i32
    return %c0_i32, %c0_i32_0 : i32, i32
  }
  func.func @transform_3(%arg0: i32) -> (i32, i32) {
    %c0_i32 = arith.constant 0 : i32
    %c0_i32_0 = arith.constant 0 : i32
    return %arg0, %c0_i32 : i32, i32
  }
}

module attributes {stable_mosaic.version = 14 : i64} {
  func.func @_combine_mm_body(%arg0: i32, %arg1: memref<2x1024x128xf32, #tpu.memory_space<vmem>>, %arg2: memref<1024x128xf32, #tpu.memory_space<vmem>>, %arg3: memref<2x1024x16xf32, #tpu.memory_space<vmem>>, %arg4: memref<1x128xf32, #tpu.memory_space<vmem>>, %arg5: memref<128x128xf32, #tpu.memory_space<vmem>>, %arg6: memref<1024x128xf32, #tpu.memory_space<vmem>>) attributes {dimension_semantics = [#tpu.dimension_semantics<arbitrary>], iteration_bounds = array<i64: 10>, scalar_prefetch = 0 : i64, scratch_operands = 0 : i64, tpu.core_type = #tpu.core_type<tc>, window_params = [{transform_indices = @transform_0, window_bounds = array<i64: 2, 1024, 128>}, {transform_indices = @transform_1, window_bounds = array<i64: 1024, 128>}, {transform_indices = @transform_2, window_bounds = array<i64: 2, 1024, 16>}, {pipeline_mode = #tpu.pipeline_mode<synchronous>, transform_indices = @transform_3, window_bounds = array<i64: 1, 128>}, {pipeline_mode = #tpu.pipeline_mode<synchronous>, transform_indices = @transform_4, window_bounds = array<i64: 128, 128>}, {transform_indices = @transform_5, window_bounds = array<i64: 1024, 128>}]} {
    %get3A = arith.constant 0 : index
    %get3A_0 = arith.constant 0 : index
    %get3A_1 = arith.constant 0 : index
    %get3A_2 = vector.load %arg3[%get3A, %get3A_0, %get3A_1] : memref<2x1024x16xf32, #tpu.memory_space<vmem>>, vector<1x1024x1xf32>
    %get3A_3 = vector.shape_cast %get3A_2 : vector<1x1024x1xf32> to vector<1024xf32>
    %get3A_4 = arith.constant 1 : index
    %get3A_5 = arith.constant 0 : index
    %get3A_6 = arith.constant 0 : index
    %get3A_7 = vector.load %arg3[%get3A_4, %get3A_5, %get3A_6] : memref<2x1024x16xf32, #tpu.memory_space<vmem>>, vector<1x1024x1xf32>
    %get3A_8 = vector.shape_cast %get3A_7 : vector<1x1024x1xf32> to vector<1024xf32>
    %add3A = arith.addf %get3A_3, %get3A_8 : vector<1024xf32>
    %add3A_9 = arith.constant 1.000000e+00 : f32
    %add3A_10 = vector.broadcast %add3A_9 : f32 to vector<1024xf32>
    %add3A_11 = arith.addf %add3A, %add3A_10 : vector<1024xf32>
    %rsqrt3A = math.rsqrt %add3A_11 : vector<1024xf32>
    %get3A_12 = arith.constant 0 : index
    %get3A_13 = arith.constant 0 : index
    %get3A_14 = arith.constant 0 : index
    %get3A_15 = vector.load %arg1[%get3A_12, %get3A_13, %get3A_14] : memref<2x1024x128xf32, #tpu.memory_space<vmem>>, vector<1x1024x128xf32>
    %get3A_16 = vector.shape_cast %get3A_15 : vector<1x1024x128xf32> to vector<1024x128xf32>
    %get3A_17 = arith.constant 1 : index
    %get3A_18 = arith.constant 0 : index
    %get3A_19 = arith.constant 0 : index
    %get3A_20 = vector.load %arg1[%get3A_17, %get3A_18, %get3A_19] : memref<2x1024x128xf32, #tpu.memory_space<vmem>>, vector<1x1024x128xf32>
    %get3A_21 = vector.shape_cast %get3A_20 : vector<1x1024x128xf32> to vector<1024x128xf32>
    %add3A_22 = arith.addf %get3A_16, %get3A_21 : vector<1024x128xf32>
    %get3A_23 = arith.constant 0 : index
    %get3A_24 = arith.constant 0 : index
    %get3A_25 = vector.load %arg2[%get3A_23, %get3A_24] : memref<1024x128xf32, #tpu.memory_space<vmem>>, vector<1024x128xf32>
    %add3A_26 = arith.addf %add3A_22, %get3A_25 : vector<1024x128xf32>
    %broadcast_in_dim3A = vector.shape_cast %rsqrt3A : vector<1024xf32> to vector<1024x1xf32>
    %mul3A = vector.broadcast %broadcast_in_dim3A : vector<1024x1xf32> to vector<1024x128xf32>
    %mul3A_27 = arith.mulf %add3A_26, %mul3A : vector<1024x128xf32>
    %get3A_28 = arith.constant 0 : index
    %get3A_29 = arith.constant 0 : index
    %get3A_30 = vector.load %arg4[%get3A_28, %get3A_29] : memref<1x128xf32, #tpu.memory_space<vmem>>, vector<1x128xf32>
    %add3A_31 = vector.broadcast %get3A_30 : vector<1x128xf32> to vector<1024x128xf32>
    %add3A_32 = arith.addf %mul3A_27, %add3A_31 : vector<1024x128xf32>
    %max3A = arith.constant 0.000000e+00 : f32
    %max3A_33 = vector.broadcast %max3A : f32 to vector<1024x128xf32>
    %max3A_34 = arith.maximumf %add3A_32, %max3A_33 : vector<1024x128xf32>
    %get3A_35 = arith.constant 0 : index
    %get3A_36 = arith.constant 0 : index
    %get3A_37 = vector.load %arg5[%get3A_35, %get3A_36] : memref<128x128xf32, #tpu.memory_space<vmem>>, vector<128x128xf32>
    %dot_general3A = arith.constant dense<0.000000e+00> : vector<1024x128xf32>
    %dot_general3A_38 = tpu.matmul %max3A_34, %get3A_37, %dot_general3A {dimension_numbers = #tpu.dot_dimension_numbers<[1], [0], [0], [1], [0, 0, 1, 1], [], []>, transpose_lhs_hint = false} : vector<1024x128xf32>, vector<128x128xf32>, vector<1024x128xf32> -> vector<1024x128xf32>
    %broadcast_in_dim3A_39 = vector.shape_cast %rsqrt3A : vector<1024xf32> to vector<1024x1xf32>
    %mul3A_40 = vector.broadcast %broadcast_in_dim3A_39 : vector<1024x1xf32> to vector<1024x128xf32>
    %mul3A_41 = arith.mulf %dot_general3A_38, %mul3A_40 : vector<1024x128xf32>
    %swap3A = arith.constant 0 : index
    %swap3A_42 = arith.constant 0 : index
    %swap3A_43 = vector.load %arg6[%swap3A, %swap3A_42] : memref<1024x128xf32, #tpu.memory_space<vmem>>, vector<1024x128xf32>
    tpu.vector_store %arg6[%swap3A, %swap3A_42], %mul3A_41 {strides = array<i32>} : memref<1024x128xf32, #tpu.memory_space<vmem>>, vector<1024x128xf32>,
    return
  }
  func.func @transform_0(%arg0: i32) -> (i32, i32, i32) {
    %c0_i32 = arith.constant 0 : i32
    %c0_i32_0 = arith.constant 0 : i32
    %c0_i32_1 = arith.constant 0 : i32
    return %c0_i32, %arg0, %c0_i32_0 : i32, i32, i32
  }
  func.func @transform_1(%arg0: i32) -> (i32, i32) {
    %c0_i32 = arith.constant 0 : i32
    %c0_i32_0 = arith.constant 0 : i32
    return %arg0, %c0_i32 : i32, i32
  }
  func.func @transform_2(%arg0: i32) -> (i32, i32, i32) {
    %c0_i32 = arith.constant 0 : i32
    %c0_i32_0 = arith.constant 0 : i32
    %c0_i32_1 = arith.constant 0 : i32
    return %c0_i32, %arg0, %c0_i32_0 : i32, i32, i32
  }
  func.func @transform_3(%arg0: i32) -> (i32, i32) {
    %c0_i32 = arith.constant 0 : i32
    %c0_i32_0 = arith.constant 0 : i32
    %c0_i32_1 = arith.constant 0 : i32
    return %c0_i32, %c0_i32_0 : i32, i32
  }
  func.func @transform_4(%arg0: i32) -> (i32, i32) {
    %c0_i32 = arith.constant 0 : i32
    %c0_i32_0 = arith.constant 0 : i32
    %c0_i32_1 = arith.constant 0 : i32
    return %c0_i32, %c0_i32_0 : i32, i32
  }
  func.func @transform_5(%arg0: i32) -> (i32, i32) {
    %c0_i32 = arith.constant 0 : i32
    %c0_i32_0 = arith.constant 0 : i32
    return %arg0, %c0_i32 : i32, i32
  }
}

module attributes {stable_mosaic.version = 14 : i64} {
  func.func @_combine_head_body(%arg0: i32, %arg1: memref<2x1024x128xf32, #tpu.memory_space<vmem>>, %arg2: memref<1024x128xf32, #tpu.memory_space<vmem>>, %arg3: memref<2x1024x16xf32, #tpu.memory_space<vmem>>, %arg4: memref<1x128xf32, #tpu.memory_space<vmem>>, %arg5: memref<128x1xf32, #tpu.memory_space<vmem>>, %arg6: memref<1x1xf32, #tpu.memory_space<vmem>>, %arg7: memref<1024x1xf32, #tpu.memory_space<vmem>>) attributes {dimension_semantics = [#tpu.dimension_semantics<arbitrary>], iteration_bounds = array<i64: 10>, scalar_prefetch = 0 : i64, scratch_operands = 0 : i64, tpu.core_type = #tpu.core_type<tc>, window_params = [{transform_indices = @transform_0, window_bounds = array<i64: 2, 1024, 128>}, {transform_indices = @transform_1, window_bounds = array<i64: 1024, 128>}, {transform_indices = @transform_2, window_bounds = array<i64: 2, 1024, 16>}, {pipeline_mode = #tpu.pipeline_mode<synchronous>, transform_indices = @transform_3, window_bounds = array<i64: 1, 128>}, {pipeline_mode = #tpu.pipeline_mode<synchronous>, transform_indices = @transform_4, window_bounds = array<i64: 128, 1>}, {pipeline_mode = #tpu.pipeline_mode<synchronous>, transform_indices = @transform_5, window_bounds = array<i64: 1, 1>}, {transform_indices = @transform_6, window_bounds = array<i64: 1024, 1>}]} {
    %get3A = arith.constant 0 : index
    %get3A_0 = arith.constant 0 : index
    %get3A_1 = arith.constant 0 : index
    %get3A_2 = vector.load %arg3[%get3A, %get3A_0, %get3A_1] : memref<2x1024x16xf32, #tpu.memory_space<vmem>>, vector<1x1024x1xf32>
    %get3A_3 = vector.shape_cast %get3A_2 : vector<1x1024x1xf32> to vector<1024xf32>
    %get3A_4 = arith.constant 1 : index
    %get3A_5 = arith.constant 0 : index
    %get3A_6 = arith.constant 0 : index
    %get3A_7 = vector.load %arg3[%get3A_4, %get3A_5, %get3A_6] : memref<2x1024x16xf32, #tpu.memory_space<vmem>>, vector<1x1024x1xf32>
    %get3A_8 = vector.shape_cast %get3A_7 : vector<1x1024x1xf32> to vector<1024xf32>
    %add3A = arith.addf %get3A_3, %get3A_8 : vector<1024xf32>
    %add3A_9 = arith.constant 1.000000e+00 : f32
    %add3A_10 = vector.broadcast %add3A_9 : f32 to vector<1024xf32>
    %add3A_11 = arith.addf %add3A, %add3A_10 : vector<1024xf32>
    %rsqrt3A = math.rsqrt %add3A_11 : vector<1024xf32>
    %get3A_12 = arith.constant 0 : index
    %get3A_13 = arith.constant 0 : index
    %get3A_14 = arith.constant 0 : index
    %get3A_15 = vector.load %arg1[%get3A_12, %get3A_13, %get3A_14] : memref<2x1024x128xf32, #tpu.memory_space<vmem>>, vector<1x1024x128xf32>
    %get3A_16 = vector.shape_cast %get3A_15 : vector<1x1024x128xf32> to vector<1024x128xf32>
    %get3A_17 = arith.constant 1 : index
    %get3A_18 = arith.constant 0 : index
    %get3A_19 = arith.constant 0 : index
    %get3A_20 = vector.load %arg1[%get3A_17, %get3A_18, %get3A_19] : memref<2x1024x128xf32, #tpu.memory_space<vmem>>, vector<1x1024x128xf32>
    %get3A_21 = vector.shape_cast %get3A_20 : vector<1x1024x128xf32> to vector<1024x128xf32>
    %add3A_22 = arith.addf %get3A_16, %get3A_21 : vector<1024x128xf32>
    %get3A_23 = arith.constant 0 : index
    %get3A_24 = arith.constant 0 : index
    %get3A_25 = vector.load %arg2[%get3A_23, %get3A_24] : memref<1024x128xf32, #tpu.memory_space<vmem>>, vector<1024x128xf32>
    %add3A_26 = arith.addf %add3A_22, %get3A_25 : vector<1024x128xf32>
    %broadcast_in_dim3A = vector.shape_cast %rsqrt3A : vector<1024xf32> to vector<1024x1xf32>
    %mul3A = vector.broadcast %broadcast_in_dim3A : vector<1024x1xf32> to vector<1024x128xf32>
    %mul3A_27 = arith.mulf %add3A_26, %mul3A : vector<1024x128xf32>
    %get3A_28 = arith.constant 0 : index
    %get3A_29 = arith.constant 0 : index
    %get3A_30 = vector.load %arg4[%get3A_28, %get3A_29] : memref<1x128xf32, #tpu.memory_space<vmem>>, vector<1x128xf32>
    %add3A_31 = vector.broadcast %get3A_30 : vector<1x128xf32> to vector<1024x128xf32>
    %add3A_32 = arith.addf %mul3A_27, %add3A_31 : vector<1024x128xf32>
    %max3A = arith.constant 0.000000e+00 : f32
    %max3A_33 = vector.broadcast %max3A : f32 to vector<1024x128xf32>
    %max3A_34 = arith.maximumf %add3A_32, %max3A_33 : vector<1024x128xf32>
    %get3A_35 = arith.constant 0 : index
    %get3A_36 = arith.constant 0 : index
    %get3A_37 = vector.load %arg5[%get3A_35, %get3A_36] : memref<128x1xf32, #tpu.memory_space<vmem>>, vector<128x1xf32>
    %dot_general3A = arith.constant dense<0.000000e+00> : vector<1024x1xf32>
    %dot_general3A_38 = tpu.matmul %max3A_34, %get3A_37, %dot_general3A {dimension_numbers = #tpu.dot_dimension_numbers<[1], [0], [0], [1], [0, 0, 1, 1], [], []>, transpose_lhs_hint = false} : vector<1024x128xf32>, vector<128x1xf32>, vector<1024x1xf32> -> vector<1024x1xf32>
    %get3A_39 = arith.constant 0 : index
    %get3A_40 = arith.constant 0 : index
    %get3A_41 = vector.load %arg6[%get3A_39, %get3A_40] : memref<1x1xf32, #tpu.memory_space<vmem>>, vector<1x1xf32>
    %add3A_42 = vector.broadcast %get3A_41 : vector<1x1xf32> to vector<1024x1xf32>
    %add3A_43 = arith.addf %dot_general3A_38, %add3A_42 : vector<1024x1xf32>
    %swap3A = arith.constant 0 : index
    %swap3A_44 = arith.constant 0 : index
    %swap3A_45 = vector.load %arg7[%swap3A, %swap3A_44] : memref<1024x1xf32, #tpu.memory_space<vmem>>, vector<1024x1xf32>
    tpu.vector_store %arg7[%swap3A, %swap3A_44], %add3A_43 {strides = array<i32>} : memref<1024x1xf32, #tpu.memory_space<vmem>>, vector<1024x1xf32>,
    return
  }
  func.func @transform_0(%arg0: i32) -> (i32, i32, i32) {
    %c0_i32 = arith.constant 0 : i32
    %c0_i32_0 = arith.constant 0 : i32
    %c0_i32_1 = arith.constant 0 : i32
    return %c0_i32, %arg0, %c0_i32_0 : i32, i32, i32
  }
  func.func @transform_1(%arg0: i32) -> (i32, i32) {
    %c0_i32 = arith.constant 0 : i32
    %c0_i32_0 = arith.constant 0 : i32
    return %arg0, %c0_i32 : i32, i32
  }
  func.func @transform_2(%arg0: i32) -> (i32, i32, i32) {
    %c0_i32 = arith.constant 0 : i32
    %c0_i32_0 = arith.constant 0 : i32
    %c0_i32_1 = arith.constant 0 : i32
    return %c0_i32, %arg0, %c0_i32_0 : i32, i32, i32
  }
  func.func @transform_3(%arg0: i32) -> (i32, i32) {
    %c0_i32 = arith.constant 0 : i32
    %c0_i32_0 = arith.constant 0 : i32
    %c0_i32_1 = arith.constant 0 : i32
    return %c0_i32, %c0_i32_0 : i32, i32
  }
  func.func @transform_4(%arg0: i32) -> (i32, i32) {
    %c0_i32 = arith.constant 0 : i32
    %c0_i32_0 = arith.constant 0 : i32
    %c0_i32_1 = arith.constant 0 : i32
    return %c0_i32, %c0_i32_0 : i32, i32
  }
  func.func @transform_5(%arg0: i32) -> (i32, i32) {
    %c0_i32 = arith.constant 0 : i32
    %c0_i32_0 = arith.constant 0 : i32
    %c0_i32_1 = arith.constant 0 : i32
    return %c0_i32, %c0_i32_0 : i32, i32
  }
  func.func @transform_6(%arg0: i32) -> (i32, i32) {
    %c0_i32 = arith.constant 0 : i32
    %c0_i32_0 = arith.constant 0 : i32
    return %arg0, %c0_i32 : i32, i32
  }
}

module attributes {stable_mosaic.version = 14 : i64} {
  func.func @_softmax_body(%arg0: memref<10240x1xf32, #tpu.memory_space<vmem>>, %arg1: memref<10240x1xf32, #tpu.memory_space<vmem>>) attributes {dimension_semantics = [], scalar_prefetch = 0 : i64, scratch_operands = 0 : i64, tpu.core_type = #tpu.core_type<tc>} {
    %get3A = arith.constant 0 : index
    %get3A_0 = arith.constant 0 : index
    %get3A_1 = vector.load %arg0[%get3A, %get3A_0] : memref<10240x1xf32, #tpu.memory_space<vmem>>, vector<10240x1xf32>
    %iota3A = tpu.iota {dimensions = array<i32: 0>} : vector<10240x1xi32>
    %lt3A = arith.constant 10000 : i32
    %lt3A_2 = vector.broadcast %lt3A : i32 to vector<10240x1xi32>
    %lt3A_3 = arith.cmpi slt, %iota3A, %lt3A_2 : vector<10240x1xi32>
    %jit3A = arith.constant -1.000000e+30 : f32
    %broadcast_in_dim3A = vector.broadcast %jit3A : f32 to vector<10240x1xf32>
    %select_n3A = arith.select %lt3A_3, %get3A_1, %broadcast_in_dim3A : vector<10240x1xi1>, vector<10240x1xf32>
    %reduce_max3A = vector.shape_cast %select_n3A : vector<10240x1xf32> to vector<1x10240x1xf32>
    %reduce_max3A_4 = arith.constant dense<0xFF800000> : vector<1xf32>
    %reduce_max3A_5 = vector.multi_reduction <maximumf>, %reduce_max3A, %reduce_max3A_4 [1, 2] : vector<1x10240x1xf32> to vector<1xf32>
    %reduce_max3A_6 = vector.shape_cast %reduce_max3A_5 : vector<1xf32> to vector<1x1x1xf32>
    %reduce_max3A_7 = vector.extract %reduce_max3A_6[0, 0, 0] : f32 from vector<1x1x1xf32>
    %sub3A = vector.broadcast %reduce_max3A_7 : f32 to vector<10240x1xf32>
    %sub3A_8 = arith.subf %select_n3A, %sub3A : vector<10240x1xf32>
    %exp3A = math.exp %sub3A_8 : vector<10240x1xf32>
    %jit3A_9 = arith.constant 0.000000e+00 : f32
    %broadcast_in_dim3A_10 = vector.broadcast %jit3A_9 : f32 to vector<10240x1xf32>
    %select_n3A_11 = arith.select %lt3A_3, %exp3A, %broadcast_in_dim3A_10 : vector<10240x1xi1>, vector<10240x1xf32>
    %reduce_sum3A = vector.shape_cast %select_n3A_11 : vector<10240x1xf32> to vector<1x10240x1xf32>
    %reduce_sum3A_12 = arith.constant dense<0.000000e+00> : vector<1xf32>
    %reduce_sum3A_13 = vector.multi_reduction <add>, %reduce_sum3A, %reduce_sum3A_12 [1, 2] : vector<1x10240x1xf32> to vector<1xf32>
    %reduce_sum3A_14 = vector.shape_cast %reduce_sum3A_13 : vector<1xf32> to vector<1x1x1xf32>
    %reduce_sum3A_15 = vector.extract %reduce_sum3A_14[0, 0, 0] : f32 from vector<1x1x1xf32>
    %div3A = vector.broadcast %reduce_sum3A_15 : f32 to vector<10240x1xf32>
    %div3A_16 = arith.divf %select_n3A_11, %div3A : vector<10240x1xf32>
    %swap3A = arith.constant 0 : index
    %swap3A_17 = arith.constant 0 : index
    %swap3A_18 = vector.load %arg1[%swap3A, %swap3A_17] : memref<10240x1xf32, #tpu.memory_space<vmem>>, vector<10240x1xf32>
    tpu.vector_store %arg1[%swap3A, %swap3A_17], %div3A_16 {strides = array<i32>} : memref<10240x1xf32, #tpu.memory_space<vmem>>, vector<10240x1xf32>,
    return
  }
}

</mosaic_0001>

<sc_bundles>
// kernel: kernel.12.cloned.1.call-start
scs
__scs_entry_jumppad:
0x0: {  	(pc) =	sbr.rel $0x88, $3  }
0x1: {  	(tag) =	ssettag $0x0;
	lr =	simm.s32 $0x1  }
0x2: {  	[smem:$0x3F99] =	sst lr;
	_ =	strace $0xD0000000  }
0x3: {  	_ = 	snop  }
0x4: {  	_ = 	snop  }
0x5: {  	_ = 	snop  }
0x6: {  	_ = 	snop  }
0x7: {  	_ = 	snop  }
__scs_overlays_trampoline_lowered:
0x8: {  	[smem:$0x3FA8] =	sst s0  }
0x9: {  	[smem:$0x3FA9] =	sst s1  }
0xa: {  	[smem:$0x3FAA] =	sst s2  }
0xb: {  	[smem:$0x3FAB] =	sst s3  }
0xc: {  	[smem:$0x3FAC] =	sst s4  }
0xd: {  	[smem:$0x3FAD] =	sst s5  }
0xe: {  	[smem:$0x3FAE] =	sst s6  }
0xf: {  	[smem:$0x3FAF] =	sst s7  }
0x10: {  	[smem:$0x3FB0] =	sst s8  }
0x11: {  	[smem:$0x3FB1] =	sst s9;
	s0 =	simm.s32 @!p0 $0x0  }
0x12: {  	s1 =	sld [smem:$0x3F97];
	s0 =	simm.s32 @p0 $0x1  }
0x13: {  	[smem:$0x3FB2] =	sst s0;
	s0 =	simm.s32 @!p1 $0x0  }
0x14: {  	s2 =	sld [smem:$0x3F96];
	s0 =	simm.s32 @p1 $0x1  }
0x15: {  	[smem:$0x3FB3] =	sst s0;
	s0 =	simm.s32 @!p2 $0x0  }
0x16: {  	s3 =	sld [smem:$0x3FDB];
	s0 =	simm.s32 @p2 $0x1  }
0x17: {  	s4 =	simm.s32 $0x1BF5;
	[smem:$0x3FB5] =	sst s0  }
0x18: {  	s0 =	sld [smem:$0x3F98];
	_ =	swait.ge [sflag:s4], $0x0  }
0x19: {  	s7 =	sld [smem:$0x3F99]  }
0x1a: {  	s8 =	sadd.s32 $0xFFFFE003, lr  }
0x1b: {  	s9 =	sadd.s32 $0xFFFFFEF7, lr;
	s5 =	simm.s32 $0xFFFFFFFF;
	p2 =	slt.u32 s8, $0xFFFFF086  }
0x1c: {  	p1 =	slt.u32 s9, $0xF7A;
	s5 =	simm.s32 @!p2 $0x0  }
0x1d: {  	s5 =	simm.s32 @p1 $0x1;
	p0 =	seq.s32 s7, s2  }
0x1e: {  	s7 =	smul.u32 @!p0 $0xF7A, s2;
	p2 =	seq.s32 @!p0 s5, $0x0  }
0x1f: {  	s9 =	smul.u32 $0xF7A, s1;
	s8 =	simm.s32 @!p0 $0x1BF5;
	p2 =	por !p2, p0  }
0x20: {  	[sflag:s8] =	ssyncset.s32 @!p0 $0xFFFFF086;
	s6 =	sadd.s32 @!p0 s3, s7;
	s7 =	simm.s32 @!p0 $0x108  }
0x21: {  	s3 =	sadd.s32 s3, s9;
	s6 =	sadd.s32 @!p0 $0x88, s6;
	s7 =	simm.s32 @p2 $0x1082  }
0x22: {  	[simem:s7], [sflag:s8] =	dma.local @!p0 [hbm:s6], $0xF7A  }
0x23: {  	s9 =	sor.u32 $0xD0000000, s2;
	s6 =	simm.s32 $0x108;
	_ =	swait.ge @!p0 [sflag:s8], $0x0  }
0x24: {  	s3 =	sadd.s32 $0x88, s3;
	s6 =	simm.s32 @!p1 $0x1082;
	[sflag:s4] =	ssyncset.s32 $0xFFFFF086  }
0x25: {  	[simem:s6], [sflag:s4] =	dma.local [hbm:s3], $0xF7A  }
0x26: {  	[smem:$0x3F99] =	sst s1;
	(tag) =	ssettag s2;
	_ =	strace s9  }
0x27: {  	s1 =	sld [smem:$0x3FA9]  }
0x28: {  	s2 =	sld [smem:$0x3FAA]  }
0x29: {  	s4 =	sld [smem:$0x3FAC]  }
0x2a: {  	p0 =	seq.s32 s5, $0x0;
	s5 =	sld [smem:$0x3FAD]  }
0x2b: {  	s6 =	sld [smem:$0x3FAE]  }
0x2c: {  	s7 =	sld [smem:$0x3FAF]  }
0x2d: {  	s3 =	simm.s32 $0x108;
	s8 =	sld [smem:$0x3FB0]  }
0x2e: {  	s3 =	simm.s32 @!p0 $0x1082;
	s9 =	sld [smem:$0x3FB1]  }
0x2f: {  	lr =	sadd.s32 s0, s3;
	s0 =	sld [smem:$0x3FA8]  }
0x30: {  	s3 =	sld [smem:$0x3FAB]  }
0x31: {  	[smem:$0x3FB4] =	sst s10  }
0x32: {  	s10 =	sld [smem:$0x3FB2];
	_ =	sdelay $0x3  }
0x33: {  	p0 =	seq.s32 s10, $0x1;
	s10 =	sld [smem:$0x3FB4];
	_ =	sdelay $0x3  }
0x34: {  	[smem:$0x3FB4] =	sst s10  }
0x35: {  	s10 =	sld [smem:$0x3FB3];
	_ =	sdelay $0x3  }
0x36: {  	p1 =	seq.s32 s10, $0x1;
	s10 =	sld [smem:$0x3FB4];
	_ =	sdelay $0x3  }
0x37: {  	[smem:$0x3FB4] =	sst s10  }
0x38: {  	s10 =	sld [smem:$0x3FB5]  }
0x39: {  	_ = 	snop;
	(pc) =	sbr.ind lr, $3  }
0x3a: {  	_ = 	snop  }
0x3b: {  	_ = 	snop  }
0x3c: {  	p2 =	seq.s32 s10, $0x1;
	s10 =	sld [smem:$0x3FB4]  }
0x3d: {  	_ =	shalt  }
0x3e: {  	_ =	shalt  }
0x3f: {  	_ =	shalt  }
0x40: {  	_ =	shalt  }
0x41: {  	_ =	shalt  }
0x42: {  	_ =	shalt  }
0x43: {  	_ =	shalt  }
0x44: {  	_ =	shalt  }
0x45: {  	_ =	shalt  }
0x46: {  	_ =	shalt  }
0x47: {  	_ =	shalt  }
0x48: {  	_ =	shalt  }
0x49: {  	_ =	shalt  }
0x4a: {  	_ =	shalt  }
0x4b: {  	_ =	shalt  }
0x4c: {  	_ =	shalt  }
0x4d: {  	_ =	shalt  }
0x4e: {  	_ =	shalt  }
0x4f: {  	_ =	shalt  }
0x50: {  	_ =	shalt  }
0x51: {  	_ =	shalt  }
0x52: {  	_ =	shalt  }
0x53: {  	_ =	shalt  }
0x54: {  	_ =	shalt  }
0x55: {  	_ =	shalt  }
0x56: {  	_ =	shalt  }
0x57: {  	_ =	shalt  }
0x58: {  	_ =	shalt  }
0x59: {  	_ =	shalt  }
0x5a: {  	_ =	shalt  }
0x5b: {  	_ =	shalt  }
0x5c: {  	_ =	shalt  }
0x5d: {  	_ =	shalt  }
0x5e: {  	_ =	shalt  }
0x5f: {  	_ =	shalt  }
0x60: {  	_ =	shalt  }
0x61: {  	_ =	shalt  }
0x62: {  	_ =	shalt  }
0x63: {  	_ =	shalt  }
0x64: {  	_ =	shalt  }
0x65: {  	_ =	shalt  }
0x66: {  	_ =	shalt  }
0x67: {  	_ =	shalt  }
0x68: {  	_ =	shalt  }
0x69: {  	_ =	shalt  }
0x6a: {  	_ =	shalt  }
0x6b: {  	_ =	shalt  }
0x6c: {  	_ =	shalt  }
0x6d: {  	_ =	shalt  }
0x6e: {  	_ =	shalt  }
0x6f: {  	_ =	shalt  }
0x70: {  	_ =	shalt  }
0x71: {  	_ =	shalt  }
0x72: {  	_ =	shalt  }
0x73: {  	_ =	shalt  }
0x74: {  	_ =	shalt  }
0x75: {  	_ =	shalt  }
0x76: {  	_ =	shalt  }
0x77: {  	_ =	shalt  }
0x78: {  	_ =	shalt  }
0x79: {  	_ =	shalt  }
0x7a: {  	_ =	shalt  }
0x7b: {  	_ =	shalt  }
0x7c: {  	_ =	shalt  }
0x7d: {  	_ =	shalt  }
0x7e: {  	_ =	shalt  }
0x7f: {  	_ =	shalt  }
0x80: {  	_ =	shalt  }
0x81: {  	_ =	shalt  }
0x82: {  	_ =	shalt  }
0x83: {  	_ =	shalt  }
0x84: {  	_ =	shalt  }
0x85: {  	_ =	shalt  }
0x86: {  	_ =	shalt  }
0x87: {  	_ =	shalt  }
.Lfunc_end0:
.L_simem_size_0:
called_computation.1_lowered:
.L_overlay_start_0:
0x88: {  	s2 =	sld [smem:$0x3FD9]  }
0x89: {  	s3 =	sld [smem:$0x3FFE];
	_ =	sdelay $0x1  }
0x8a: {  	s1 =	srdreg.scid  }
0x8b: {  	s0 =	sand.u32 $0x1, s1  }
0x8c: {  	s16 =	sshll.u32 s0, $0xA;
	s2 =	sadd.s32 s3, s2  }
0x8d: {  	s2 =	sadd.s32 s2, s16  }
0x8e: {  	[smem:$0x3FC0] =	sst s2  }
0x8f: {  	_ = 	snop  }
0x90: {  	(tm) =	ssettm $0x1  }
0x91: {  	s17 =	sld [smem:$0x3FFB];
	_ =	sdelay $0x3  }
0x92: {  	_ =	strace s17  }
0x93: {  	s2 =	sld [smem:$0x3FFC];
	_ =	sdelay $0x3  }
0x94: {  	_ =	strace s2  }
0x95: {  	s2 =	sld [smem:$0x3FFD];
	_ =	sdelay $0x3  }
0x96: {  	_ =	strace s2  }
0x97: {  	_ =	strace $0x8FFFFFFF  }
0x98: {  	s18 =	sld [smem:$0x3FDB];
	_ =	sdelay $0x1  }
0x99: {  	s19 =	simm.s32 $_scs_section_size  }
0x9a: {  	s4 =	simm.s32 $_size__tile_overlayer_lowered;
	s5 =	simm.s32 $_tile_overlayer_lowered  }
0x9b: {  	s22 =	simm.s32 $0x1BFF;
	s21 =	sshll.u32 s5, $0x1;
	s2 =	sadd.s32 s19, s18  }
0x9c: {  	s6 =	simm.s32 $0x0;
	s20 =	sshll.u32 s4, $0x1;
	s4 =	sadd.s32 s21, s2  }
0x9d: {  	[timem:s6], [sflag:s22] =	dma.local [hbm:s4], s20  }
0x9e: {  	_ =	swait.ge [sflag:s22], s20  }
0x9f: {  	s3 =	ssub.s32 $0x0, s20;
	[sflag:s22] =	ssyncset.done $0x0  }
0xa0: {  	[sflag:s22] =	ssyncadd.s32 s3;
	_ =	sdelay $0x1  }
0xa1: {  	s23 =	simm.s32 $0x1B8B  }
0xa2: {  	_ =	swait.ge [sflag:s23], $0x1  }
0xa3: {  	[sflag:s23] =	ssyncset.done $0x0  }
0xa4: {  	s25 =	simm.s32 $0x1B8E;
	s24 =	sld [smem:$0x3FFE];
	[sflag:s23] =	ssyncadd.s32 $0xFFFFFFFF  }
0xa5: {  	s26 =	simm.s32 $execute0_lowered;
	[smem:$0x3FD2] =	sst s25  }
0xa6: {  	s4 =	sshll.u32 s26, $0x1;
	_ =	strace $0x80000049;
	[dreg:$0x1] =	wrdreg $0xFFFFFFFF  }
0xa7: {  	s28 =	simm.s32 $_size_execute0_lowered;
	s2 =	sadd.s32 s2, s4;
	[dreg:$0x0] =	wrdreg $0x0  }
0xa8: {  	s4 =	sshll.u32 s28, $0x1;
	[dreg:$0x2] =	wrdreg s2  }
0xa9: {  	[dreg:$0x3] =	wrdreg s4  }
0xaa: {  	[dreg:$0x4] =	wrdreg $0xC0  }
0xab: {  	_ =	task [dreg:s6], $0x5FFFF  }
0xac: {  	[dreg:$0x1] =	wrdreg $0xFFFFFFFF  }
0xad: {  	[dreg:$0x0] =	wrdreg $0x60  }
0xae: {  	[dreg:$0x2] =	wrdreg s24  }
0xaf: {  	[dreg:$0x3] =	wrdreg $0x90000  }
0xb0: {  	[dreg:$0x4] =	wrdreg $0x9  }
0xb1: {  	_ =	task.clear_ibuf [dreg:s6], $0x5FFFF;
	_ =	strace $0x90000049  }
0xb2: {  	s29 =	simm.s32 $0x9;
	_ =	strace $0x8000004B  }
0xb3: {  	_ =	swait.ge [sflag:s29], $0x1  }
0xb4: {  	[sflag:s29] =	ssyncadd.s32 $0xFFFFFFFF  }
0xb5: {  	_ =	strace $0x9000004B  }
0xb6: {  	_ =	sfence  }
0xb7: {  	s30 =	sld [smem:$0x0];
	_ =	sdelay $0x2  }
0xb8: {  	s31 =	sshll.u32 s1, $0xD;
	s1 =	sshrl.u32 s1, $0x2  }
0xb9: {  	s3 =	sand.u32 $0x4000, s31;
	s1 =	sadd.s32 s1, s30  }
0xba: {  	s0 =	sor.u32 s3, s0;
	s1 =	sshll.u32 s1, $0x11  }
0xbb: {  	s0 =	sor.u32 s1, s0  }
0xbc: {  	s0 =	sadd.s32 $0x8F2B, s0  }
0xbd: {  	[sflag:s0] =	ssyncadd.remote.s32 $0x1  }
0xbe: {  	_ =	sfence.sel $0xFFFF  }
0xbf: {  	[dreg:$0x0] =	wrdreg $0xFFFFFFFF;
	(pc) =	sbr.abs _section_cstart, $3  }
0xc0: {  	[dreg:$0x1] =	wrdreg $0xFFFFFFFF  }
0xc1: {  	_ =	task.clear_ibuf [dreg:s6], $0x2FFFF;
	_ =	strace $0x9FFFFFFF  }
0xc2: {  	(tm) =	ssettm $0x7FFFFFFF  }
0xc3: {  	_ =	shalt  }
tec
execute0_lowered:
.L_overlay_start_1:
0x0: {  	(tag) =	ssettag $0x1  }
0x1: {  	s0 =	srdreg.scid;
	s5 =	rddreg [dreg:$0x0]  }
0x2: {  	s15 =	stileid.u32;
	s1 =	rddreg [dreg:$0x1];
	s2 =	simm.s32 $0x0  }
0x3: {  	s10 =	simm.s32 $0x2800;
	s12 =	simm.s32 $0x80;
	s13 =	simm.s32 $0x5000  }
0x4: {  	s14 =	simm.s32 $0x1;
	s17 =	simm.s32 $0x0;
	s4 =	sand.u32 $0x1, s0  }
0x5: {  	s29 =	sshll.u32 s15, $0x1;
	[smem:$0x7FF] =	sst s2;
	s8 =	smul.u32 $0x14000, s15  }
0x6: {  	s3 =	sadd.s32 $0xBE00, s5;
	s9 =	smul.u32 $0x50000, s15;
	p0 =	sne.s32 s15, $0x0  }
0x7: {  	s15 =	sshll.u32 s15, $0x6;
	s0 =	sor.u32 s4, s29;
	s7 =	smul.u32 $0x140000, s4  }
0x8: {  	s30 =	ssub.s32 $0x2, s4;
	s4 =	sadd.s32 $0x8DE00, s5;
	s11 =	sshrl.u32 @!p0 s1, $0x3  }
0x9: {  	s15 =	sor.u32 $0x1C02, s15;
	s6 =	smul.u32 $0x500, s0;
	s0 =	rddreg [dreg:$0x2]  }
0xa: {  	_ =	strace $0x8000004A;
	s31 =	sshrl.u32 s30, $0x1;
	s9 =	sshrl.u32 s9, $0x2  }
0xb: {  	s7 =	sadd.s32 s8, s7;
	s8 =	ssub.s32 s30, s31;
	s16 =	sadd.s32 s9, s1  }
0xc: {  	s9 =	simm.s32 $0x2;
	s6 =	sadd.s32 s6, s5;
	s7 =	sshrl.u32 s7, $0x3  }
0xd: {  	s8 =	smax.u32 s8, $0x1;
	s16 =	sshrl.u32 s16, $0x3;
	s7 =	sadd.s32 s7, s5  }
0xe: {  	s5 =	sadd.s32 $0x83E00, s6;
	s6 =	sadd.s32 $0x1E00, s6;
	s7 =	sadd.s32 $0xB5E00, s7  }
.LBB2_1:
0xf: {  	[tilespmem:s2], [sflag:$0x2] =	stream.linear.gather [hbm4b:s5+s2], $0x2780, $0x38;
	[tilespmem:$0x1D000] =	vst v63  }
0x10: {  	_ =	swait.ge [sflag:s9], $0x2780  }
0x11: {  	[sflag:s9] =	ssyncset.done $0x0  }
0x12: {  	[sflag:s9] =	ssyncadd.s32 $0xFFFFD880  }
0x13: {  	[tilespmem:s10], [sflag:$0x2] =	stream.linear.gather [hbm4b:s6+s2], $0x2780, $0x38;
	[tilespmem:$0x1D000] =	vst v63  }
0x14: {  	_ =	swait.ge [sflag:s9], $0x2780  }
0x15: {  	[sflag:s9] =	ssyncset.done $0x0  }
0x16: {  	s18 =	simm.s32 @!p0 $0x1C02;
	[sflag:s9] =	ssyncadd.s32 $0xFFFFD880  }
0x17: {  	[spmem:s11], [sflag:s18] =	dma.local @!p0 [hbm:s4], $0x28000  }
0x18: {  	s18 =	simm.s32 @!p0 $0x2  }
0x19: {  	_ =	swait.ge @!p0 [sflag:s18], $0x28000  }
0x1a: {  	[sflag:s18] =	ssyncset.done @!p0 $0x0  }
0x1b: {  	[sflag:s18] =	ssyncadd.s32 @!p0 $0xFFFD8000  }
0x1c: {  	s30 =	simm.s32 $0x0;
	[bflag:$0x0] =	sbarrier.arrive $0xFFFF  }
0x1d: {  	[tilespmem:s13], [sflag:$0x1] =	stream.indirect.gather [hbm4b:s3+s12], $0x80, s30, s12, $0xb8;
	[tilespmem:$0x1D000] =	vst v63  }
0x1e: {  	_ =	swait.ge [sflag:s14], $0x4000  }
0x1f: {  	[sflag:s14] =	ssyncset.done $0x0  }
0x20: {  	s31 =	simm.s32 $0x2800;
	[sflag:s14] =	ssyncadd.s32 $0xFFFFC000  }
0x21: {  	[spmem:s1] =	stream.indirect.scatter.add.f32 [tilespmem:s13], [sflag:$0x2], $0x80, s31, s12, $0xb8;
	[tilespmem:$0x1D000] =	vst v63  }
0x22: {  	_ =	swait.ge [sflag:s9], $0x4000  }
0x23: {  	s19 =	simm.s32 $0x400;
	s18 =	simm.s32 $0x200;
	[sflag:s9] =	ssyncset.done $0x0  }
.LBB2_2:
0x24: {  	s20 =	sshra.s32 s18, $0x2  }
0x25: {  	[sflag:s9] =	ssyncadd.s32 $0xFFFFC000;
	s18 =	smov.u32 s19;
	s21 =	sadd.s32 $0x200, s19  }
0x26: {  	[tilespmem:s13], [sflag:$0x1] =	stream.indirect.gather [hbm4b:s3+s12], $0x80, s20, s12, $0xb8;
	[tilespmem:$0x1D000] =	vst v63  }
0x27: {  	p1 =	sne.s32 s19, $0x9C00;
	_ =	swait.ge [sflag:s14], $0x4000  }
.Ltmp0:
0x28: {  	[sflag:s14] =	ssyncset.done $0x0;
	(pc) =	sbr.rel @p1 .LBB2_2-.Ltmp0, $4  }
0x29: {  	s19 =	sadd.s32 $0x2800, s20;
	[sflag:s14] =	ssyncadd.s32 $0xFFFFC000  }
0x2a: {  	[spmem:s1] =	stream.indirect.scatter.add.f32 [tilespmem:s13], [sflag:$0x2], $0x80, s19, s12, $0xb8;
	[tilespmem:$0x1D000] =	vst v63  }
0x2b: {  	_ =	swait.ge [sflag:s9], $0x4000  }
0x2c: {  	s19 =	smov.u32 s21;
	[sflag:s9] =	ssyncset.done $0x0  }
0x2d: {  	s18 =	sshra.s32 s18, $0x2;
	[sflag:s9] =	ssyncadd.s32 $0xFFFFC000  }
0x2e: {  	[tilespmem:s13], [sflag:$0x1] =	stream.indirect.gather [hbm4b:s3+s12], $0x80, s18, s12, $0xb8;
	[tilespmem:$0x1D000] =	vst v63  }
0x2f: {  	_ =	swait.ge [sflag:s14], $0x4000  }
0x30: {  	[sflag:s14] =	ssyncset.done $0x0  }
0x31: {  	s18 =	sadd.s32 $0x2800, s18;
	[sflag:s14] =	ssyncadd.s32 $0xFFFFC000  }
0x32: {  	[spmem:s1] =	stream.indirect.scatter.add.f32 [tilespmem:s13], [sflag:$0x2], $0x80, s18, s12, $0xb8;
	[tilespmem:$0x1D000] =	vst v63  }
0x33: {  	_ =	swait.ge [sflag:s9], $0x4000  }
0x34: {  	s17 =	sadd.s32 $0x1, s17;
	[sflag:s9] =	ssyncset.done $0x0  }
0x35: {  	p1 =	sne.s32 s17, s8;
	[sflag:s9] =	ssyncadd.s32 $0xFFFFC000  }
.Ltmp1:
0x36: {  	[bflag:$0x0] =	sbarrier.arrive $0xFFFF;
	(pc) =	sbr.rel @p1 .LBB2_1-.Ltmp1, $4  }
0x37: {  	[hbm:s7], [sflag:s15] =	dma.local [spmem:s16], $0x2800  }
0x38: {  	_ =	swait.ge [sflag:s9], $0x2800  }
0x39: {  	[sflag:s9] =	ssyncset.done $0x0  }
0x3a: {  	[sflag:s9] =	ssyncadd.s32 $0xFFFFD800  }
0x3b: {  	_ =	sfence.sel $0x180000  }
0x3c: {  	[bflag:$0x0] =	sbarrier.arrive $0xFFFF  }
0x3d: {  	_ =	strace $0x9000004A  }
0x3e: {  	s0 =	sadd.s32 @!p0 $0x100000, s0;
	[bflag:$0x2] =	sbarrier.arrive $0xFFFF  }
0x3f: {  	[sflag:s0] =	ssyncadd.tile.s32 @!p0 $0x1;
	_ =	shalt  }
.Lfunc_end2:
_tile_overlayer_lowered:
.L_overlay_start_2:
0x40: {  	(tag) =	ssettag $0x2  }
0x41: {  	s0 =	rddreg [dreg:$0x0];
	s2 =	stileid.u32  }
0x42: {  	s1 =	rddreg [dreg:$0x1];
	p0 =	sne.s32 s2, $0x0  }
0x43: {  	s3 =	rddreg [dreg:$0x2];
	[bflag:$0x3] =	sbarrier.arrive $0xFFFF;
	s2 =	simm.s32 @!p0 $0x1C02  }
0x44: {  	[timem:s3], [sflag:s2] =	dma.local @!p0 [hbm:s0], s1  }
0x45: {  	s0 =	simm.s32 @!p0 $0x2  }
0x46: {  	_ =	swait.ge @!p0 [sflag:s0], s1  }
0x47: {  	s1 =	ssub.s32 @!p0 $0x0, s1;
	[sflag:s0] =	ssyncset.done @!p0 $0x0  }
0x48: {  	[sflag:s0] =	ssyncadd.s32 @!p0 s1  }
0x49: {  	[bflag:$0x3] =	sbarrier.arrive $0xFFFF  }
0x4a: {  	_ =	shalt  }

// kernel: kernel.15.cloned.1.call-start
scs
__scs_entry_jumppad:
0x0: {  	(pc) =	sbr.rel $0x88, $3  }
0x1: {  	(tag) =	ssettag $0x0;
	lr =	simm.s32 $0x1  }
0x2: {  	[smem:$0x3F99] =	sst lr;
	_ =	strace $0xD0000000  }
0x3: {  	_ = 	snop  }
0x4: {  	_ = 	snop  }
0x5: {  	_ = 	snop  }
0x6: {  	_ = 	snop  }
0x7: {  	_ = 	snop  }
__scs_overlays_trampoline_lowered:
0x8: {  	[smem:$0x3FA8] =	sst s0  }
0x9: {  	[smem:$0x3FA9] =	sst s1  }
0xa: {  	[smem:$0x3FAA] =	sst s2  }
0xb: {  	[smem:$0x3FAB] =	sst s3  }
0xc: {  	[smem:$0x3FAC] =	sst s4  }
0xd: {  	[smem:$0x3FAD] =	sst s5  }
0xe: {  	[smem:$0x3FAE] =	sst s6  }
0xf: {  	[smem:$0x3FAF] =	sst s7  }
0x10: {  	[smem:$0x3FB0] =	sst s8  }
0x11: {  	[smem:$0x3FB1] =	sst s9;
	s0 =	simm.s32 @!p0 $0x0  }
0x12: {  	s1 =	sld [smem:$0x3F97];
	s0 =	simm.s32 @p0 $0x1  }
0x13: {  	[smem:$0x3FB2] =	sst s0;
	s0 =	simm.s32 @!p1 $0x0  }
0x14: {  	s2 =	sld [smem:$0x3F96];
	s0 =	simm.s32 @p1 $0x1  }
0x15: {  	[smem:$0x3FB3] =	sst s0;
	s0 =	simm.s32 @!p2 $0x0  }
0x16: {  	s3 =	sld [smem:$0x3FDB];
	s0 =	simm.s32 @p2 $0x1  }
0x17: {  	s4 =	simm.s32 $0x1BF5;
	[smem:$0x3FB5] =	sst s0  }
0x18: {  	s0 =	sld [smem:$0x3F98];
	_ =	swait.ge [sflag:s4], $0x0  }
0x19: {  	s7 =	sld [smem:$0x3F99]  }
0x1a: {  	s8 =	sadd.s32 $0xFFFFE003, lr  }
0x1b: {  	s9 =	sadd.s32 $0xFFFFFEF7, lr;
	s5 =	simm.s32 $0xFFFFFFFF;
	p2 =	slt.u32 s8, $0xFFFFF086  }
0x1c: {  	p1 =	slt.u32 s9, $0xF7A;
	s5 =	simm.s32 @!p2 $0x0  }
0x1d: {  	s5 =	simm.s32 @p1 $0x1;
	p0 =	seq.s32 s7, s2  }
0x1e: {  	s7 =	smul.u32 @!p0 $0xF7A, s2;
	p2 =	seq.s32 @!p0 s5, $0x0  }
0x1f: {  	s9 =	smul.u32 $0xF7A, s1;
	s8 =	simm.s32 @!p0 $0x1BF5;
	p2 =	por !p2, p0  }
0x20: {  	[sflag:s8] =	ssyncset.s32 @!p0 $0xFFFFF086;
	s6 =	sadd.s32 @!p0 s3, s7;
	s7 =	simm.s32 @!p0 $0x108  }
0x21: {  	s3 =	sadd.s32 s3, s9;
	s6 =	sadd.s32 @!p0 $0x88, s6;
	s7 =	simm.s32 @p2 $0x1082  }
0x22: {  	[simem:s7], [sflag:s8] =	dma.local @!p0 [hbm:s6], $0xF7A  }
0x23: {  	s9 =	sor.u32 $0xD0000000, s2;
	s6 =	simm.s32 $0x108;
	_ =	swait.ge @!p0 [sflag:s8], $0x0  }
0x24: {  	s3 =	sadd.s32 $0x88, s3;
	s6 =	simm.s32 @!p1 $0x1082;
	[sflag:s4] =	ssyncset.s32 $0xFFFFF086  }
0x25: {  	[simem:s6], [sflag:s4] =	dma.local [hbm:s3], $0xF7A  }
0x26: {  	[smem:$0x3F99] =	sst s1;
	(tag) =	ssettag s2;
	_ =	strace s9  }
0x27: {  	s1 =	sld [smem:$0x3FA9]  }
0x28: {  	s2 =	sld [smem:$0x3FAA]  }
0x29: {  	s4 =	sld [smem:$0x3FAC]  }
0x2a: {  	p0 =	seq.s32 s5, $0x0;
	s5 =	sld [smem:$0x3FAD]  }
0x2b: {  	s6 =	sld [smem:$0x3FAE]  }
0x2c: {  	s7 =	sld [smem:$0x3FAF]  }
0x2d: {  	s3 =	simm.s32 $0x108;
	s8 =	sld [smem:$0x3FB0]  }
0x2e: {  	s3 =	simm.s32 @!p0 $0x1082;
	s9 =	sld [smem:$0x3FB1]  }
0x2f: {  	lr =	sadd.s32 s0, s3;
	s0 =	sld [smem:$0x3FA8]  }
0x30: {  	s3 =	sld [smem:$0x3FAB]  }
0x31: {  	[smem:$0x3FB4] =	sst s10  }
0x32: {  	s10 =	sld [smem:$0x3FB2];
	_ =	sdelay $0x3  }
0x33: {  	p0 =	seq.s32 s10, $0x1;
	s10 =	sld [smem:$0x3FB4];
	_ =	sdelay $0x3  }
0x34: {  	[smem:$0x3FB4] =	sst s10  }
0x35: {  	s10 =	sld [smem:$0x3FB3];
	_ =	sdelay $0x3  }
0x36: {  	p1 =	seq.s32 s10, $0x1;
	s10 =	sld [smem:$0x3FB4];
	_ =	sdelay $0x3  }
0x37: {  	[smem:$0x3FB4] =	sst s10  }
0x38: {  	s10 =	sld [smem:$0x3FB5]  }
0x39: {  	_ = 	snop;
	(pc) =	sbr.ind lr, $3  }
0x3a: {  	_ = 	snop  }
0x3b: {  	_ = 	snop  }
0x3c: {  	p2 =	seq.s32 s10, $0x1;
	s10 =	sld [smem:$0x3FB4]  }
0x3d: {  	_ =	shalt  }
0x3e: {  	_ =	shalt  }
0x3f: {  	_ =	shalt  }
0x40: {  	_ =	shalt  }
0x41: {  	_ =	shalt  }
0x42: {  	_ =	shalt  }
0x43: {  	_ =	shalt  }
0x44: {  	_ =	shalt  }
0x45: {  	_ =	shalt  }
0x46: {  	_ =	shalt  }
0x47: {  	_ =	shalt  }
0x48: {  	_ =	shalt  }
0x49: {  	_ =	shalt  }
0x4a: {  	_ =	shalt  }
0x4b: {  	_ =	shalt  }
0x4c: {  	_ =	shalt  }
0x4d: {  	_ =	shalt  }
0x4e: {  	_ =	shalt  }
0x4f: {  	_ =	shalt  }
0x50: {  	_ =	shalt  }
0x51: {  	_ =	shalt  }
0x52: {  	_ =	shalt  }
0x53: {  	_ =	shalt  }
0x54: {  	_ =	shalt  }
0x55: {  	_ =	shalt  }
0x56: {  	_ =	shalt  }
0x57: {  	_ =	shalt  }
0x58: {  	_ =	shalt  }
0x59: {  	_ =	shalt  }
0x5a: {  	_ =	shalt  }
0x5b: {  	_ =	shalt  }
0x5c: {  	_ =	shalt  }
0x5d: {  	_ =	shalt  }
0x5e: {  	_ =	shalt  }
0x5f: {  	_ =	shalt  }
0x60: {  	_ =	shalt  }
0x61: {  	_ =	shalt  }
0x62: {  	_ =	shalt  }
0x63: {  	_ =	shalt  }
0x64: {  	_ =	shalt  }
0x65: {  	_ =	shalt  }
0x66: {  	_ =	shalt  }
0x67: {  	_ =	shalt  }
0x68: {  	_ =	shalt  }
0x69: {  	_ =	shalt  }
0x6a: {  	_ =	shalt  }
0x6b: {  	_ =	shalt  }
0x6c: {  	_ =	shalt  }
0x6d: {  	_ =	shalt  }
0x6e: {  	_ =	shalt  }
0x6f: {  	_ =	shalt  }
0x70: {  	_ =	shalt  }
0x71: {  	_ =	shalt  }
0x72: {  	_ =	shalt  }
0x73: {  	_ =	shalt  }
0x74: {  	_ =	shalt  }
0x75: {  	_ =	shalt  }
0x76: {  	_ =	shalt  }
0x77: {  	_ =	shalt  }
0x78: {  	_ =	shalt  }
0x79: {  	_ =	shalt  }
0x7a: {  	_ =	shalt  }
0x7b: {  	_ =	shalt  }
0x7c: {  	_ =	shalt  }
0x7d: {  	_ =	shalt  }
0x7e: {  	_ =	shalt  }
0x7f: {  	_ =	shalt  }
0x80: {  	_ =	shalt  }
0x81: {  	_ =	shalt  }
0x82: {  	_ =	shalt  }
0x83: {  	_ =	shalt  }
0x84: {  	_ =	shalt  }
0x85: {  	_ =	shalt  }
0x86: {  	_ =	shalt  }
0x87: {  	_ =	shalt  }
.Lfunc_end0:
.L_simem_size_0:
called_computation.2_lowered:
.L_overlay_start_0:
0x88: {  	s2 =	sld [smem:$0x3FD9]  }
0x89: {  	s3 =	sld [smem:$0x3FFE];
	_ =	sdelay $0x1  }
0x8a: {  	s1 =	srdreg.scid  }
0x8b: {  	s0 =	sand.u32 $0x1, s1  }
0x8c: {  	s16 =	sshll.u32 s0, $0xA;
	s2 =	sadd.s32 s3, s2  }
0x8d: {  	s2 =	sadd.s32 s2, s16  }
0x8e: {  	[smem:$0x3FC0] =	sst s2  }
0x8f: {  	_ = 	snop  }
0x90: {  	(tm) =	ssettm $0x1  }
0x91: {  	s17 =	sld [smem:$0x3FFB];
	_ =	sdelay $0x3  }
0x92: {  	_ =	strace s17  }
0x93: {  	s2 =	sld [smem:$0x3FFC];
	_ =	sdelay $0x3  }
0x94: {  	_ =	strace s2  }
0x95: {  	s2 =	sld [smem:$0x3FFD];
	_ =	sdelay $0x3  }
0x96: {  	_ =	strace s2  }
0x97: {  	_ =	strace $0x8FFFFFFF  }
0x98: {  	s18 =	sld [smem:$0x3FDB];
	_ =	sdelay $0x1  }
0x99: {  	s19 =	simm.s32 $_scs_section_size  }
0x9a: {  	s4 =	simm.s32 $_size__tile_overlayer_lowered;
	s5 =	simm.s32 $_tile_overlayer_lowered  }
0x9b: {  	s22 =	simm.s32 $0x1BFF;
	s21 =	sshll.u32 s5, $0x1;
	s2 =	sadd.s32 s19, s18  }
0x9c: {  	s6 =	simm.s32 $0x0;
	s20 =	sshll.u32 s4, $0x1;
	s4 =	sadd.s32 s21, s2  }
0x9d: {  	[timem:s6], [sflag:s22] =	dma.local [hbm:s4], s20  }
0x9e: {  	_ =	swait.ge [sflag:s22], s20  }
0x9f: {  	s3 =	ssub.s32 $0x0, s20;
	[sflag:s22] =	ssyncset.done $0x0  }
0xa0: {  	[sflag:s22] =	ssyncadd.s32 s3;
	_ =	sdelay $0x1  }
0xa1: {  	s23 =	simm.s32 $0x1B8B  }
0xa2: {  	_ =	swait.ge [sflag:s23], $0x1  }
0xa3: {  	[sflag:s23] =	ssyncset.done $0x0  }
0xa4: {  	s25 =	simm.s32 $0x1B8E;
	s24 =	sld [smem:$0x3FFE];
	[sflag:s23] =	ssyncadd.s32 $0xFFFFFFFF  }
0xa5: {  	s26 =	simm.s32 $execute0_lowered;
	[smem:$0x3FD2] =	sst s25  }
0xa6: {  	s4 =	sshll.u32 s26, $0x1;
	_ =	strace $0x8000004C;
	[dreg:$0x1] =	wrdreg $0xFFFFFFFF  }
0xa7: {  	s28 =	simm.s32 $_size_execute0_lowered;
	s2 =	sadd.s32 s2, s4;
	[dreg:$0x0] =	wrdreg $0x0  }
0xa8: {  	s4 =	sshll.u32 s28, $0x1;
	[dreg:$0x2] =	wrdreg s2  }
0xa9: {  	[dreg:$0x3] =	wrdreg s4  }
0xaa: {  	[dreg:$0x4] =	wrdreg $0xC0  }
0xab: {  	_ =	task [dreg:s6], $0x5FFFF  }
0xac: {  	[dreg:$0x1] =	wrdreg $0xFFFFFFFF  }
0xad: {  	[dreg:$0x0] =	wrdreg $0x60  }
0xae: {  	[dreg:$0x2] =	wrdreg s24  }
0xaf: {  	[dreg:$0x3] =	wrdreg $0x90000  }
0xb0: {  	[dreg:$0x4] =	wrdreg $0x9  }
0xb1: {  	_ =	task.clear_ibuf [dreg:s6], $0x5FFFF;
	_ =	strace $0x9000004C  }
0xb2: {  	s29 =	simm.s32 $0x9;
	_ =	strace $0x8000004E  }
0xb3: {  	_ =	swait.ge [sflag:s29], $0x1  }
0xb4: {  	[sflag:s29] =	ssyncadd.s32 $0xFFFFFFFF  }
0xb5: {  	_ =	strace $0x9000004E  }
0xb6: {  	_ =	sfence  }
0xb7: {  	s30 =	sld [smem:$0x0];
	_ =	sdelay $0x2  }
0xb8: {  	s31 =	sshll.u32 s1, $0xD;
	s1 =	sshrl.u32 s1, $0x2  }
0xb9: {  	s3 =	sand.u32 $0x4000, s31;
	s1 =	sadd.s32 s1, s30  }
0xba: {  	s0 =	sor.u32 s3, s0;
	s1 =	sshll.u32 s1, $0x11  }
0xbb: {  	s0 =	sor.u32 s1, s0  }
0xbc: {  	s0 =	sadd.s32 $0x8F2B, s0  }
0xbd: {  	[sflag:s0] =	ssyncadd.remote.s32 $0x1  }
0xbe: {  	_ =	sfence.sel $0xFFFF  }
0xbf: {  	[dreg:$0x0] =	wrdreg $0xFFFFFFFF;
	(pc) =	sbr.abs _section_cstart, $3  }
0xc0: {  	[dreg:$0x1] =	wrdreg $0xFFFFFFFF  }
0xc1: {  	_ =	task.clear_ibuf [dreg:s6], $0x2FFFF;
	_ =	strace $0x9FFFFFFF  }
0xc2: {  	(tm) =	ssettm $0x7FFFFFFF  }
0xc3: {  	_ =	shalt  }
tec
execute0_lowered:
.L_overlay_start_1:
0x0: {  	(tag) =	ssettag $0x1  }
0x1: {  	s0 =	srdreg.scid;
	s5 =	rddreg [dreg:$0x0]  }
0x2: {  	s15 =	stileid.u32;
	s1 =	rddreg [dreg:$0x1];
	s2 =	simm.s32 $0x0  }
0x3: {  	s10 =	simm.s32 $0x2800;
	s12 =	simm.s32 $0x80;
	s13 =	simm.s32 $0x5000  }
0x4: {  	s14 =	simm.s32 $0x1;
	s17 =	simm.s32 $0x0;
	s4 =	sand.u32 $0x1, s0  }
0x5: {  	s29 =	sshll.u32 s15, $0x1;
	[smem:$0x7FF] =	sst s2;
	s8 =	smul.u32 $0x14000, s15  }
0x6: {  	s3 =	sadd.s32 $0xBE00, s5;
	s9 =	smul.u32 $0x50000, s15;
	p0 =	sne.s32 s15, $0x0  }
0x7: {  	s15 =	sshll.u32 s15, $0x6;
	s0 =	sor.u32 s4, s29;
	s7 =	smul.u32 $0x140000, s4  }
0x8: {  	s30 =	ssub.s32 $0x2, s4;
	s4 =	sadd.s32 $0x8DE00, s5;
	s11 =	sshrl.u32 @!p0 s1, $0x3  }
0x9: {  	s15 =	sor.u32 $0x1C02, s15;
	s6 =	smul.u32 $0x500, s0;
	s0 =	rddreg [dreg:$0x2]  }
0xa: {  	_ =	strace $0x8000004D;
	s31 =	sshrl.u32 s30, $0x1;
	s9 =	sshrl.u32 s9, $0x2  }
0xb: {  	s7 =	sadd.s32 s8, s7;
	s8 =	ssub.s32 s30, s31;
	s16 =	sadd.s32 s9, s1  }
0xc: {  	s9 =	simm.s32 $0x2;
	s6 =	sadd.s32 s6, s5;
	s7 =	sshrl.u32 s7, $0x3  }
0xd: {  	s8 =	smax.u32 s8, $0x1;
	s16 =	sshrl.u32 s16, $0x3;
	s7 =	sadd.s32 s7, s5  }
0xe: {  	s5 =	sadd.s32 $0x83E00, s6;
	s6 =	sadd.s32 $0x1E00, s6;
	s7 =	sadd.s32 $0xB5E00, s7  }
.LBB2_1:
0xf: {  	[tilespmem:s2], [sflag:$0x2] =	stream.linear.gather [hbm4b:s5+s2], $0x2780, $0x38;
	[tilespmem:$0x1D000] =	vst v63  }
0x10: {  	_ =	swait.ge [sflag:s9], $0x2780  }
0x11: {  	[sflag:s9] =	ssyncset.done $0x0  }
0x12: {  	[sflag:s9] =	ssyncadd.s32 $0xFFFFD880  }
0x13: {  	[tilespmem:s10], [sflag:$0x2] =	stream.linear.gather [hbm4b:s6+s2], $0x2780, $0x38;
	[tilespmem:$0x1D000] =	vst v63  }
0x14: {  	_ =	swait.ge [sflag:s9], $0x2780  }
0x15: {  	[sflag:s9] =	ssyncset.done $0x0  }
0x16: {  	s18 =	simm.s32 @!p0 $0x1C02;
	[sflag:s9] =	ssyncadd.s32 $0xFFFFD880  }
0x17: {  	[spmem:s11], [sflag:s18] =	dma.local @!p0 [hbm:s4], $0x28000  }
0x18: {  	s18 =	simm.s32 @!p0 $0x2  }
0x19: {  	_ =	swait.ge @!p0 [sflag:s18], $0x28000  }
0x1a: {  	[sflag:s18] =	ssyncset.done @!p0 $0x0  }
0x1b: {  	[sflag:s18] =	ssyncadd.s32 @!p0 $0xFFFD8000  }
0x1c: {  	s30 =	simm.s32 $0x0;
	[bflag:$0x0] =	sbarrier.arrive $0xFFFF  }
0x1d: {  	[tilespmem:s13], [sflag:$0x1] =	stream.indirect.gather [hbm4b:s3+s12], $0x80, s30, s12, $0xb8;
	[tilespmem:$0x1D000] =	vst v63  }
0x1e: {  	_ =	swait.ge [sflag:s14], $0x4000  }
0x1f: {  	[sflag:s14] =	ssyncset.done $0x0  }
0x20: {  	s31 =	simm.s32 $0x2800;
	[sflag:s14] =	ssyncadd.s32 $0xFFFFC000  }
0x21: {  	[spmem:s1] =	stream.indirect.scatter.add.f32 [tilespmem:s13], [sflag:$0x2], $0x80, s31, s12, $0xb8;
	[tilespmem:$0x1D000] =	vst v63  }
0x22: {  	_ =	swait.ge [sflag:s9], $0x4000  }
0x23: {  	s19 =	simm.s32 $0x400;
	s18 =	simm.s32 $0x200;
	[sflag:s9] =	ssyncset.done $0x0  }
.LBB2_2:
0x24: {  	s20 =	sshra.s32 s18, $0x2  }
0x25: {  	[sflag:s9] =	ssyncadd.s32 $0xFFFFC000;
	s18 =	smov.u32 s19;
	s21 =	sadd.s32 $0x200, s19  }
0x26: {  	[tilespmem:s13], [sflag:$0x1] =	stream.indirect.gather [hbm4b:s3+s12], $0x80, s20, s12, $0xb8;
	[tilespmem:$0x1D000] =	vst v63  }
0x27: {  	p1 =	sne.s32 s19, $0x9C00;
	_ =	swait.ge [sflag:s14], $0x4000  }
.Ltmp0:
0x28: {  	[sflag:s14] =	ssyncset.done $0x0;
	(pc) =	sbr.rel @p1 .LBB2_2-.Ltmp0, $4  }
0x29: {  	s19 =	sadd.s32 $0x2800, s20;
	[sflag:s14] =	ssyncadd.s32 $0xFFFFC000  }
0x2a: {  	[spmem:s1] =	stream.indirect.scatter.add.f32 [tilespmem:s13], [sflag:$0x2], $0x80, s19, s12, $0xb8;
	[tilespmem:$0x1D000] =	vst v63  }
0x2b: {  	_ =	swait.ge [sflag:s9], $0x4000  }
0x2c: {  	s19 =	smov.u32 s21;
	[sflag:s9] =	ssyncset.done $0x0  }
0x2d: {  	s18 =	sshra.s32 s18, $0x2;
	[sflag:s9] =	ssyncadd.s32 $0xFFFFC000  }
0x2e: {  	[tilespmem:s13], [sflag:$0x1] =	stream.indirect.gather [hbm4b:s3+s12], $0x80, s18, s12, $0xb8;
	[tilespmem:$0x1D000] =	vst v63  }
0x2f: {  	_ =	swait.ge [sflag:s14], $0x4000  }
0x30: {  	[sflag:s14] =	ssyncset.done $0x0  }
0x31: {  	s18 =	sadd.s32 $0x2800, s18;
	[sflag:s14] =	ssyncadd.s32 $0xFFFFC000  }
0x32: {  	[spmem:s1] =	stream.indirect.scatter.add.f32 [tilespmem:s13], [sflag:$0x2], $0x80, s18, s12, $0xb8;
	[tilespmem:$0x1D000] =	vst v63  }
0x33: {  	_ =	swait.ge [sflag:s9], $0x4000  }
0x34: {  	s17 =	sadd.s32 $0x1, s17;
	[sflag:s9] =	ssyncset.done $0x0  }
0x35: {  	p1 =	sne.s32 s17, s8;
	[sflag:s9] =	ssyncadd.s32 $0xFFFFC000  }
.Ltmp1:
0x36: {  	[bflag:$0x0] =	sbarrier.arrive $0xFFFF;
	(pc) =	sbr.rel @p1 .LBB2_1-.Ltmp1, $4  }
0x37: {  	[hbm:s7], [sflag:s15] =	dma.local [spmem:s16], $0x2800  }
0x38: {  	_ =	swait.ge [sflag:s9], $0x2800  }
0x39: {  	[sflag:s9] =	ssyncset.done $0x0  }
0x3a: {  	[sflag:s9] =	ssyncadd.s32 $0xFFFFD800  }
0x3b: {  	_ =	sfence.sel $0x180000  }
0x3c: {  	[bflag:$0x0] =	sbarrier.arrive $0xFFFF  }
0x3d: {  	_ =	strace $0x9000004D  }
0x3e: {  	s0 =	sadd.s32 @!p0 $0x100000, s0;
	[bflag:$0x2] =	sbarrier.arrive $0xFFFF  }
0x3f: {  	[sflag:s0] =	ssyncadd.tile.s32 @!p0 $0x1;
	_ =	shalt  }
.Lfunc_end2:
_tile_overlayer_lowered:
.L_overlay_start_2:
0x40: {  	(tag) =	ssettag $0x2  }
0x41: {  	s0 =	rddreg [dreg:$0x0];
	s2 =	stileid.u32  }
0x42: {  	s1 =	rddreg [dreg:$0x1];
	p0 =	sne.s32 s2, $0x0  }
0x43: {  	s3 =	rddreg [dreg:$0x2];
	[bflag:$0x3] =	sbarrier.arrive $0xFFFF;
	s2 =	simm.s32 @!p0 $0x1C02  }
0x44: {  	[timem:s3], [sflag:s2] =	dma.local @!p0 [hbm:s0], s1  }
0x45: {  	s0 =	simm.s32 @!p0 $0x2  }
0x46: {  	_ =	swait.ge @!p0 [sflag:s0], s1  }
0x47: {  	s1 =	ssub.s32 @!p0 $0x0, s1;
	[sflag:s0] =	ssyncset.done @!p0 $0x0  }
0x48: {  	[sflag:s0] =	ssyncadd.s32 @!p0 s1  }
0x49: {  	[bflag:$0x3] =	sbarrier.arrive $0xFFFF  }
0x4a: {  	_ =	shalt  }

// kernel: kernel.9.cloned.1.call-start
scs
__scs_entry_jumppad:
0x0: {  	(pc) =	sbr.rel $0x88, $3  }
0x1: {  	(tag) =	ssettag $0x0;
	lr =	simm.s32 $0x1  }
0x2: {  	[smem:$0x3F99] =	sst lr;
	_ =	strace $0xD0000000  }
0x3: {  	_ = 	snop  }
0x4: {  	_ = 	snop  }
0x5: {  	_ = 	snop  }
0x6: {  	_ = 	snop  }
0x7: {  	_ = 	snop  }
__scs_overlays_trampoline_lowered:
0x8: {  	[smem:$0x3FA8] =	sst s0  }
0x9: {  	[smem:$0x3FA9] =	sst s1  }
0xa: {  	[smem:$0x3FAA] =	sst s2  }
0xb: {  	[smem:$0x3FAB] =	sst s3  }
0xc: {  	[smem:$0x3FAC] =	sst s4  }
0xd: {  	[smem:$0x3FAD] =	sst s5  }
0xe: {  	[smem:$0x3FAE] =	sst s6  }
0xf: {  	[smem:$0x3FAF] =	sst s7  }
0x10: {  	[smem:$0x3FB0] =	sst s8  }
0x11: {  	[smem:$0x3FB1] =	sst s9;
	s0 =	simm.s32 @!p0 $0x0  }
0x12: {  	s1 =	sld [smem:$0x3F97];
	s0 =	simm.s32 @p0 $0x1  }
0x13: {  	[smem:$0x3FB2] =	sst s0;
	s0 =	simm.s32 @!p1 $0x0  }
0x14: {  	s2 =	sld [smem:$0x3F96];
	s0 =	simm.s32 @p1 $0x1  }
0x15: {  	[smem:$0x3FB3] =	sst s0;
	s0 =	simm.s32 @!p2 $0x0  }
0x16: {  	s3 =	sld [smem:$0x3FDB];
	s0 =	simm.s32 @p2 $0x1  }
0x17: {  	s4 =	simm.s32 $0x1BF5;
	[smem:$0x3FB5] =	sst s0  }
0x18: {  	s0 =	sld [smem:$0x3F98];
	_ =	swait.ge [sflag:s4], $0x0  }
0x19: {  	s7 =	sld [smem:$0x3F99]  }
0x1a: {  	s8 =	sadd.s32 $0xFFFFE003, lr  }
0x1b: {  	s9 =	sadd.s32 $0xFFFFFEF7, lr;
	s5 =	simm.s32 $0xFFFFFFFF;
	p2 =	slt.u32 s8, $0xFFFFF086  }
0x1c: {  	p1 =	slt.u32 s9, $0xF7A;
	s5 =	simm.s32 @!p2 $0x0  }
0x1d: {  	s5 =	simm.s32 @p1 $0x1;
	p0 =	seq.s32 s7, s2  }
0x1e: {  	s7 =	smul.u32 @!p0 $0xF7A, s2;
	p2 =	seq.s32 @!p0 s5, $0x0  }
0x1f: {  	s9 =	smul.u32 $0xF7A, s1;
	s8 =	simm.s32 @!p0 $0x1BF5;
	p2 =	por !p2, p0  }
0x20: {  	[sflag:s8] =	ssyncset.s32 @!p0 $0xFFFFF086;
	s6 =	sadd.s32 @!p0 s3, s7;
	s7 =	simm.s32 @!p0 $0x108  }
0x21: {  	s3 =	sadd.s32 s3, s9;
	s6 =	sadd.s32 @!p0 $0x88, s6;
	s7 =	simm.s32 @p2 $0x1082  }
0x22: {  	[simem:s7], [sflag:s8] =	dma.local @!p0 [hbm:s6], $0xF7A  }
0x23: {  	s9 =	sor.u32 $0xD0000000, s2;
	s6 =	simm.s32 $0x108;
	_ =	swait.ge @!p0 [sflag:s8], $0x0  }
0x24: {  	s3 =	sadd.s32 $0x88, s3;
	s6 =	simm.s32 @!p1 $0x1082;
	[sflag:s4] =	ssyncset.s32 $0xFFFFF086  }
0x25: {  	[simem:s6], [sflag:s4] =	dma.local [hbm:s3], $0xF7A  }
0x26: {  	[smem:$0x3F99] =	sst s1;
	(tag) =	ssettag s2;
	_ =	strace s9  }
0x27: {  	s1 =	sld [smem:$0x3FA9]  }
0x28: {  	s2 =	sld [smem:$0x3FAA]  }
0x29: {  	s4 =	sld [smem:$0x3FAC]  }
0x2a: {  	p0 =	seq.s32 s5, $0x0;
	s5 =	sld [smem:$0x3FAD]  }
0x2b: {  	s6 =	sld [smem:$0x3FAE]  }
0x2c: {  	s7 =	sld [smem:$0x3FAF]  }
0x2d: {  	s3 =	simm.s32 $0x108;
	s8 =	sld [smem:$0x3FB0]  }
0x2e: {  	s3 =	simm.s32 @!p0 $0x1082;
	s9 =	sld [smem:$0x3FB1]  }
0x2f: {  	lr =	sadd.s32 s0, s3;
	s0 =	sld [smem:$0x3FA8]  }
0x30: {  	s3 =	sld [smem:$0x3FAB]  }
0x31: {  	[smem:$0x3FB4] =	sst s10  }
0x32: {  	s10 =	sld [smem:$0x3FB2];
	_ =	sdelay $0x3  }
0x33: {  	p0 =	seq.s32 s10, $0x1;
	s10 =	sld [smem:$0x3FB4];
	_ =	sdelay $0x3  }
0x34: {  	[smem:$0x3FB4] =	sst s10  }
0x35: {  	s10 =	sld [smem:$0x3FB3];
	_ =	sdelay $0x3  }
0x36: {  	p1 =	seq.s32 s10, $0x1;
	s10 =	sld [smem:$0x3FB4];
	_ =	sdelay $0x3  }
0x37: {  	[smem:$0x3FB4] =	sst s10  }
0x38: {  	s10 =	sld [smem:$0x3FB5]  }
0x39: {  	_ = 	snop;
	(pc) =	sbr.ind lr, $3  }
0x3a: {  	_ = 	snop  }
0x3b: {  	_ = 	snop  }
0x3c: {  	p2 =	seq.s32 s10, $0x1;
	s10 =	sld [smem:$0x3FB4]  }
0x3d: {  	_ =	shalt  }
0x3e: {  	_ =	shalt  }
0x3f: {  	_ =	shalt  }
0x40: {  	_ =	shalt  }
0x41: {  	_ =	shalt  }
0x42: {  	_ =	shalt  }
0x43: {  	_ =	shalt  }
0x44: {  	_ =	shalt  }
0x45: {  	_ =	shalt  }
0x46: {  	_ =	shalt  }
0x47: {  	_ =	shalt  }
0x48: {  	_ =	shalt  }
0x49: {  	_ =	shalt  }
0x4a: {  	_ =	shalt  }
0x4b: {  	_ =	shalt  }
0x4c: {  	_ =	shalt  }
0x4d: {  	_ =	shalt  }
0x4e: {  	_ =	shalt  }
0x4f: {  	_ =	shalt  }
0x50: {  	_ =	shalt  }
0x51: {  	_ =	shalt  }
0x52: {  	_ =	shalt  }
0x53: {  	_ =	shalt  }
0x54: {  	_ =	shalt  }
0x55: {  	_ =	shalt  }
0x56: {  	_ =	shalt  }
0x57: {  	_ =	shalt  }
0x58: {  	_ =	shalt  }
0x59: {  	_ =	shalt  }
0x5a: {  	_ =	shalt  }
0x5b: {  	_ =	shalt  }
0x5c: {  	_ =	shalt  }
0x5d: {  	_ =	shalt  }
0x5e: {  	_ =	shalt  }
0x5f: {  	_ =	shalt  }
0x60: {  	_ =	shalt  }
0x61: {  	_ =	shalt  }
0x62: {  	_ =	shalt  }
0x63: {  	_ =	shalt  }
0x64: {  	_ =	shalt  }
0x65: {  	_ =	shalt  }
0x66: {  	_ =	shalt  }
0x67: {  	_ =	shalt  }
0x68: {  	_ =	shalt  }
0x69: {  	_ =	shalt  }
0x6a: {  	_ =	shalt  }
0x6b: {  	_ =	shalt  }
0x6c: {  	_ =	shalt  }
0x6d: {  	_ =	shalt  }
0x6e: {  	_ =	shalt  }
0x6f: {  	_ =	shalt  }
0x70: {  	_ =	shalt  }
0x71: {  	_ =	shalt  }
0x72: {  	_ =	shalt  }
0x73: {  	_ =	shalt  }
0x74: {  	_ =	shalt  }
0x75: {  	_ =	shalt  }
0x76: {  	_ =	shalt  }
0x77: {  	_ =	shalt  }
0x78: {  	_ =	shalt  }
0x79: {  	_ =	shalt  }
0x7a: {  	_ =	shalt  }
0x7b: {  	_ =	shalt  }
0x7c: {  	_ =	shalt  }
0x7d: {  	_ =	shalt  }
0x7e: {  	_ =	shalt  }
0x7f: {  	_ =	shalt  }
0x80: {  	_ =	shalt  }
0x81: {  	_ =	shalt  }
0x82: {  	_ =	shalt  }
0x83: {  	_ =	shalt  }
0x84: {  	_ =	shalt  }
0x85: {  	_ =	shalt  }
0x86: {  	_ =	shalt  }
0x87: {  	_ =	shalt  }
.Lfunc_end0:
.L_simem_size_0:
called_computation_lowered:
.L_overlay_start_0:
0x88: {  	s2 =	sld [smem:$0x3FD9]  }
0x89: {  	s3 =	sld [smem:$0x3FFE];
	_ =	sdelay $0x1  }
0x8a: {  	s1 =	srdreg.scid  }
0x8b: {  	s0 =	sand.u32 $0x1, s1  }
0x8c: {  	s16 =	sshll.u32 s0, $0xA;
	s2 =	sadd.s32 s3, s2  }
0x8d: {  	s2 =	sadd.s32 s2, s16  }
0x8e: {  	[smem:$0x3FC0] =	sst s2  }
0x8f: {  	_ = 	snop  }
0x90: {  	(tm) =	ssettm $0x1  }
0x91: {  	s17 =	sld [smem:$0x3FFB];
	_ =	sdelay $0x3  }
0x92: {  	_ =	strace s17  }
0x93: {  	s2 =	sld [smem:$0x3FFC];
	_ =	sdelay $0x3  }
0x94: {  	_ =	strace s2  }
0x95: {  	s2 =	sld [smem:$0x3FFD];
	_ =	sdelay $0x3  }
0x96: {  	_ =	strace s2  }
0x97: {  	_ =	strace $0x8FFFFFFF  }
0x98: {  	s18 =	sld [smem:$0x3FDB];
	_ =	sdelay $0x1  }
0x99: {  	s19 =	simm.s32 $_scs_section_size  }
0x9a: {  	s4 =	simm.s32 $_size__tile_overlayer_lowered;
	s5 =	simm.s32 $_tile_overlayer_lowered  }
0x9b: {  	s22 =	simm.s32 $0x1BFF;
	s21 =	sshll.u32 s5, $0x1;
	s2 =	sadd.s32 s19, s18  }
0x9c: {  	s6 =	simm.s32 $0x0;
	s20 =	sshll.u32 s4, $0x1;
	s4 =	sadd.s32 s21, s2  }
0x9d: {  	[timem:s6], [sflag:s22] =	dma.local [hbm:s4], s20  }
0x9e: {  	_ =	swait.ge [sflag:s22], s20  }
0x9f: {  	s3 =	ssub.s32 $0x0, s20;
	[sflag:s22] =	ssyncset.done $0x0  }
0xa0: {  	[sflag:s22] =	ssyncadd.s32 s3;
	_ =	sdelay $0x1  }
0xa1: {  	s23 =	simm.s32 $0x1B8B  }
0xa2: {  	_ =	swait.ge [sflag:s23], $0x1  }
0xa3: {  	[sflag:s23] =	ssyncset.done $0x0  }
0xa4: {  	s25 =	simm.s32 $0x1B8E;
	s24 =	sld [smem:$0x3FFE];
	[sflag:s23] =	ssyncadd.s32 $0xFFFFFFFF  }
0xa5: {  	s26 =	simm.s32 $execute0_lowered;
	[smem:$0x3FD2] =	sst s25  }
0xa6: {  	s4 =	sshll.u32 s26, $0x1;
	_ =	strace $0x80000046;
	[dreg:$0x1] =	wrdreg $0xFFFFFFFF  }
0xa7: {  	s28 =	simm.s32 $_size_execute0_lowered;
	s2 =	sadd.s32 s2, s4;
	[dreg:$0x0] =	wrdreg $0x0  }
0xa8: {  	s4 =	sshll.u32 s28, $0x1;
	[dreg:$0x2] =	wrdreg s2  }
0xa9: {  	[dreg:$0x3] =	wrdreg s4  }
0xaa: {  	[dreg:$0x4] =	wrdreg $0xC0  }
0xab: {  	_ =	task [dreg:s6], $0x5FFFF  }
0xac: {  	[dreg:$0x1] =	wrdreg $0xFFFFFFFF  }
0xad: {  	[dreg:$0x0] =	wrdreg $0x60  }
0xae: {  	[dreg:$0x2] =	wrdreg s24  }
0xaf: {  	[dreg:$0x3] =	wrdreg $0x68000  }
0xb0: {  	[dreg:$0x4] =	wrdreg $0x9  }
0xb1: {  	_ =	task.clear_ibuf [dreg:s6], $0x5FFFF;
	_ =	strace $0x90000046  }
0xb2: {  	s29 =	simm.s32 $0x9;
	_ =	strace $0x80000048  }
0xb3: {  	_ =	swait.ge [sflag:s29], $0x1  }
0xb4: {  	[sflag:s29] =	ssyncadd.s32 $0xFFFFFFFF  }
0xb5: {  	_ =	strace $0x90000048  }
0xb6: {  	_ =	sfence  }
0xb7: {  	s30 =	sld [smem:$0x0];
	_ =	sdelay $0x2  }
0xb8: {  	s31 =	sshll.u32 s1, $0xD;
	s1 =	sshrl.u32 s1, $0x2  }
0xb9: {  	s3 =	sand.u32 $0x4000, s31;
	s1 =	sadd.s32 s1, s30  }
0xba: {  	s0 =	sor.u32 s3, s0;
	s1 =	sshll.u32 s1, $0x11  }
0xbb: {  	s0 =	sor.u32 s1, s0  }
0xbc: {  	s0 =	sadd.s32 $0x8F2B, s0  }
0xbd: {  	[sflag:s0] =	ssyncadd.remote.s32 $0x1  }
0xbe: {  	_ =	sfence.sel $0xFFFF  }
0xbf: {  	[dreg:$0x0] =	wrdreg $0xFFFFFFFF;
	(pc) =	sbr.abs _section_cstart, $3  }
0xc0: {  	[dreg:$0x1] =	wrdreg $0xFFFFFFFF  }
0xc1: {  	_ =	task.clear_ibuf [dreg:s6], $0x2FFFF;
	_ =	strace $0x9FFFFFFF  }
0xc2: {  	(tm) =	ssettm $0x7FFFFFFF  }
0xc3: {  	_ =	shalt  }
tec
execute0_lowered:
.L_overlay_start_1:
0x0: {  	(tag) =	ssettag $0x1  }
0x1: {  	s0 =	srdreg.scid;
	s4 =	rddreg [dreg:$0x0]  }
0x2: {  	s11 =	stileid.u32;
	s1 =	rddreg [dreg:$0x1]  }
0x3: {  	s2 =	simm.s32 $0x0;
	s9 =	simm.s32 $0x80;
	s10 =	simm.s32 $0x2800  }
0x4: {  	s13 =	simm.s32 $0x0;
	s3 =	sand.u32 $0x1, s0;
	s7 =	smul.u32 $0x14000, s11  }
0x5: {  	s29 =	sshll.u32 s11, $0x1;
	[smem:$0x7FF] =	sst s2;
	s8 =	smul.u32 $0x50000, s11  }
0x6: {  	p0 =	sne.s32 s11, $0x0;
	s11 =	sshll.u32 s11, $0x6;
	s0 =	sor.u32 s3, s29  }
0x7: {  	s6 =	smul.u32 $0x140000, s3;
	s30 =	ssub.s32 $0x2, s3;
	s3 =	sadd.s32 $0xBE00, s4  }
0x8: {  	s11 =	sor.u32 $0x1C01, s11;
	s5 =	smul.u32 $0x500, s0;
	s0 =	rddreg [dreg:$0x2]  }
0x9: {  	_ =	strace $0x80000047;
	s31 =	sshrl.u32 s30, $0x1;
	s8 =	sshrl.u32 s8, $0x2  }
0xa: {  	s6 =	sadd.s32 s7, s6;
	s7 =	ssub.s32 s30, s31;
	s12 =	sadd.s32 s8, s1  }
0xb: {  	s8 =	sshrl.u32 @!p0 s1, $0x3;
	s5 =	sadd.s32 s5, s4;
	s6 =	sshrl.u32 s6, $0x3  }
0xc: {  	s12 =	sshrl.u32 s12, $0x3;
	s6 =	sadd.s32 s6, s4;
	s4 =	sadd.s32 $0x1E00, s5  }
0xd: {  	v0 =	vimm.f32 $1.000000000e+00;
	s5 =	sadd.s32 $0x33E00, s6;
	s6 =	smax.u32 s7, $0x1;
	s7 =	simm.s32 $0x1  }
.LBB2_1:
0xe: {  	[tilespmem:s2], [sflag:$0x1] =	stream.linear.gather [hbm4b:s4+s2], $0x2780, $0x38;
	[tilespmem:$0x9000] =	vst v63  }
0xf: {  	_ =	swait.ge [sflag:s7], $0x2780  }
0x10: {  	[sflag:s7] =	ssyncset.done $0x0  }
0x11: {  	s14 =	simm.s32 $0x200;
	s15 =	simm.s32 $0x0;
	[sflag:s7] =	ssyncadd.s32 $0xFFFFD880  }
.LBB2_2:
0x12: {  	p1 =	sne.s32 s14, $0xFE00;
	[tilespmem:s15+$0x2800] =	vst v0;
	s15 =	smov.u32 s14;
	s14 =	sadd.s32 $0x200, s14  }
.Ltmp0:
0x13: {  	(pc) =	sbr.rel @p1 .LBB2_2-.Ltmp0, $2  }
0x14: {  	_ =	sdelay $0x2  }
0x15: {  	s15 =	sshra.s32 s15, $0x2  }
0x16: {  	[tilespmem:s15+$0x2800] =	vst v0;
	s14 =	simm.s32 @!p0 $0x1C01  }
0x17: {  	[spmem:s8], [sflag:s14] =	dma.local @!p0 [hbm:s3], $0x28000  }
0x18: {  	s14 =	simm.s32 @!p0 $0x1  }
0x19: {  	_ =	swait.ge @!p0 [sflag:s14], $0x28000  }
0x1a: {  	[sflag:s14] =	ssyncset.done @!p0 $0x0  }
0x1b: {  	[sflag:s14] =	ssyncadd.s32 @!p0 $0xFFFD8000  }
0x1c: {  	s31 =	simm.s32 $0x0;
	[bflag:$0x0] =	sbarrier.arrive $0xFFFF  }
0x1d: {  	[spmem:s1] =	stream.indirect.scatter.add.f32 [tilespmem:s10], [sflag:$0x1], $0x10, s31, s9, $0xb8;
	[tilespmem:$0x9000] =	vst v63  }
0x1e: {  	_ =	swait.ge [sflag:s7], $0x800  }
0x1f: {  	s14 =	simm.s32 $0x200;
	[sflag:s7] =	ssyncset.done $0x0  }
.LBB2_4:
0x20: {  	s15 =	sshra.s32 s14, $0x2;
	[sflag:s7] =	ssyncadd.s32 $0xFFFFF800;
	p1 =	sne.s32 s14, $0x9C00  }
0x21: {  	[spmem:s1] =	stream.indirect.scatter.add.f32 [tilespmem:s10], [sflag:$0x1], $0x10, s15, s9, $0xb8;
	[tilespmem:$0x9000] =	vst v63  }
.Ltmp1:
0x22: {  	_ = 	snop;
	(pc) =	sbr.rel @p1 .LBB2_4-.Ltmp1, $4  }
0x23: {  	_ = 	snop  }
0x24: {  	s14 =	sadd.s32 $0x200, s14  }
0x25: {  	_ =	swait.ge [sflag:s7], $0x800  }
0x26: {  	[sflag:s7] =	ssyncset.done $0x0  }
0x27: {  	s13 =	sadd.s32 $0x1, s13  }
0x28: {  	[sflag:s7] =	ssyncadd.s32 $0xFFFFF800;
	p1 =	sne.s32 s13, s6  }
.Ltmp2:
0x29: {  	[bflag:$0x0] =	sbarrier.arrive $0xFFFF;
	(pc) =	sbr.rel @p1 .LBB2_1-.Ltmp2, $4  }
0x2a: {  	[hbm:s5], [sflag:s11] =	dma.local [spmem:s12], $0x2800  }
0x2b: {  	_ =	swait.ge [sflag:s7], $0x2800  }
0x2c: {  	[sflag:s7] =	ssyncset.done $0x0  }
0x2d: {  	[sflag:s7] =	ssyncadd.s32 $0xFFFFD800  }
0x2e: {  	_ =	sfence.sel $0x180000  }
0x2f: {  	[bflag:$0x0] =	sbarrier.arrive $0xFFFF  }
0x30: {  	_ =	strace $0x90000047  }
0x31: {  	s0 =	sadd.s32 @!p0 $0x100000, s0;
	[bflag:$0x2] =	sbarrier.arrive $0xFFFF  }
0x32: {  	[sflag:s0] =	ssyncadd.tile.s32 @!p0 $0x1;
	_ =	shalt  }
.Lfunc_end2:
_tile_overlayer_lowered:
.L_overlay_start_2:
0x33: {  	(tag) =	ssettag $0x2  }
0x34: {  	s0 =	rddreg [dreg:$0x0];
	s2 =	stileid.u32  }
0x35: {  	s1 =	rddreg [dreg:$0x1];
	p0 =	sne.s32 s2, $0x0  }
0x36: {  	s3 =	rddreg [dreg:$0x2];
	[bflag:$0x3] =	sbarrier.arrive $0xFFFF;
	s2 =	simm.s32 @!p0 $0x1C01  }
0x37: {  	[timem:s3], [sflag:s2] =	dma.local @!p0 [hbm:s0], s1  }
0x38: {  	s0 =	simm.s32 @!p0 $0x1  }
0x39: {  	_ =	swait.ge @!p0 [sflag:s0], s1  }
0x3a: {  	s1 =	ssub.s32 @!p0 $0x0, s1;
	[sflag:s0] =	ssyncset.done @!p0 $0x0  }
0x3b: {  	[sflag:s0] =	ssyncadd.s32 @!p0 s1  }
0x3c: {  	[bflag:$0x3] =	sbarrier.arrive $0xFFFF  }
0x3d: {  	_ =	shalt  }

</sc_bundles>
